<compile_context>
chip_gen: v7x
topology: tpu7x:2x2x1
jax: 0.10.2.dev20260603
libtpu: 0.0.44.dev20260713+nightly
codegen_flags: <defaults>
</compile_context>

<pallas_src>
import jax
import jax.numpy as jnp
from jax.experimental import pallas as pl
from jax.experimental.pallas import tpu as pltpu
from jax.experimental.pallas import tpu_sc as plsc

N_ROWS = 8192
NUM_FEATS = 4096

CHUNK = 256
N_CHUNKS = N_ROWS // CHUNK
CHUNK_SLABS = (11, 11, 10)
CHUNK_OFFS = (0, 11, 22)
NSPLIT = len(CHUNK_SLABS)

GATHER_WINDOW = 128


def _transpose_body(x_ref, o_ref):
    o_ref[...] = x_ref[...].T


def _transpose_fwd(x, c):
    kpc, off = CHUNK_SLABS[c], CHUNK_OFFS[c]
    return pl.pallas_call(
        _transpose_body,
        grid=(kpc,),
        in_specs=[pl.BlockSpec((CHUNK, NUM_FEATS),
                               lambda k, off=off: (off + k, 0))],
        out_specs=pl.BlockSpec((NUM_FEATS, CHUNK), lambda k: (k, 0)),
        out_shape=jax.ShapeDtypeStruct((kpc * NUM_FEATS, CHUNK), x.dtype),
        compiler_params=pltpu.CompilerParams(
            dimension_semantics=("parallel",),
        ),
    )(x)


def _transpose_bwd_first(g):
    return pl.pallas_call(
        _transpose_body,
        grid=(CHUNK_SLABS[0],),
        in_specs=[pl.BlockSpec((NUM_FEATS, CHUNK), lambda k: (k, 0))],
        out_specs=pl.BlockSpec((CHUNK, NUM_FEATS), lambda k: (k, 0)),
        out_shape=jax.ShapeDtypeStruct((N_ROWS, NUM_FEATS), g.dtype),
        compiler_params=pltpu.CompilerParams(
            dimension_semantics=("parallel",),
        ),
    )(g)


def _transpose_bwd_next(g, prev, c):
    kpc, off = CHUNK_SLABS[c], CHUNK_OFFS[c]

    def body(g_ref, prev_ref, o_ref):
        del prev_ref
        o_ref[...] = g_ref[...].T

    return pl.pallas_call(
        body,
        grid=(kpc,),
        in_specs=[
            pl.BlockSpec((NUM_FEATS, CHUNK), lambda k: (k, 0)),
            pl.BlockSpec(memory_space=pl.ANY),
        ],
        out_specs=pl.BlockSpec((CHUNK, NUM_FEATS),
                               lambda k, off=off: (off + k, 0)),
        out_shape=jax.ShapeDtypeStruct((N_ROWS, NUM_FEATS), g.dtype),
        input_output_aliases={1: 0},
        compiler_params=pltpu.CompilerParams(
            dimension_semantics=("parallel",),
        ),
    )(g, prev)


def _sc_gather(table, idx3):
    vector_mesh = plsc.VectorSubcoreMesh(
        core_axis_name="core", subcore_axis_name="subcore")
    n_windows = table.shape[0] // GATHER_WINDOW

    @pl.kernel(out_type=jax.ShapeDtypeStruct(table.shape, table.dtype),
               mesh=vector_mesh)
    def k(x_hbm, i_hbm, o_hbm):
        def body(i_vmem, o_vmem):
            pltpu.sync_copy(x_hbm.at[i_vmem.at[0, 0]], o_vmem)

        pltpu.emit_pipeline(
            body,
            grid=(n_windows,),
            in_specs=[pl.BlockSpec((1, 1, GATHER_WINDOW),
                                   index_map=lambda i: (i, 0, 0))],
            out_specs=[pl.BlockSpec((GATHER_WINDOW, CHUNK),
                                    index_map=lambda i: (i, 0))],
            core_axis_name=("core", "subcore"),
            dimension_semantics=(pltpu.PARALLEL,),
        )(i_hbm, o_hbm)

    return k(table, idx3)


def kernel(x, indices):
    idx = indices.astype(jnp.int32)
    kmax = max(CHUNK_SLABS)
    idx_all = (jnp.arange(kmax, dtype=jnp.int32)[:, None] * NUM_FEATS
               + idx[None, :])
    gts = []
    for c in range(NSPLIT):
        kpc = CHUNK_SLABS[c]
        idx3 = idx_all[:kpc].reshape(kpc * NUM_FEATS // GATHER_WINDOW, 1,
                                     GATHER_WINDOW)
        xt_c = _transpose_fwd(x, c)
        gts.append(_sc_gather(xt_c, idx3))
    out = _transpose_bwd_first(gts[0])
    for c in range(1, NSPLIT):
        out = _transpose_bwd_next(gts[c], out, c)
    return out

# --- scband reference (transcript-rebuilt; emitter-appended) ---
"""Pipeline reference for scband-shuffle-84327387890096 (READ-ONLY COPY).

The authoritative reference and input builder live on the scoring server;
editing this copy changes nothing except your own understanding.
"""

import jax, jax.numpy as jnp
import numpy as np

NUM_FEATS = 4096
N_ROWS = 8192


def setup_inputs(seed: int = 0) -> dict:
    key = jax.random.key(seed)
    kx, kp = jax.random.split(key)
    x = jax.random.normal(kx, (N_ROWS, NUM_FEATS), dtype=jnp.float32)
    # buffer: random permutation of num_feats (deterministic seed here)
    indices = jax.random.permutation(kp, NUM_FEATS).astype(jnp.int64)
    return {"x": x, "indices": indices}


def reference(x, indices):
    # Shuffle.forward -> forward_(x)[0] -> x[:, indices]
    return jnp.take(x, indices, axis=1)

if __name__ == "__main__":
    import jax
    _d = setup_inputs()
    print(jax.jit(kernel)(*tuple(_d.values())))

</pallas_src>

<mosaic_0001>
#map = affine_map<(d0, d1) -> (0, 0)>
#map1 = affine_map<(d0, d1) -> (0, 0, 0)>
module attributes {stable_mosaic.version = 14 : i64} {
  func.func @k(%arg0: i32, %arg1: i32, %arg2: memref<45056x256xf32, #tpu.memory_space<hbm>>, %arg3: memref<352x1x128xi32, #tpu.memory_space<hbm>>, %arg4: memref<45056x256xf32, #tpu.memory_space<hbm>>) attributes {dimension_semantics = [#tpu.dimension_semantics<core_parallel>, #tpu.dimension_semantics<subcore_parallel>], iteration_bounds = array<i64: 2, 16>, scalar_prefetch = 0 : i64, scratch_operands = 0 : i64, tpu.core_type = #tpu.core_type<sc_vector_subcore>, window_params = [{transform_indices = #map}, {transform_indices = #map1}, {transform_indices = #map}]} {
    %mul3A = arith.constant 1 : i32
    %mul3A_0 = arith.muli %arg1, %mul3A : i32
    %add3A = arith.constant 0 : i32
    %add3A_1 = arith.addi %add3A, %mul3A_0 : i32
    %mul3A_2 = arith.constant 16 : i32
    %mul3A_3 = arith.muli %arg0, %mul3A_2 : i32
    %add3A_4 = arith.addi %add3A_1, %mul3A_3 : i32
    %mul3A_5 = arith.constant 11 : i32
    %mul3A_6 = arith.muli %add3A_4, %mul3A_5 : i32
    "tpu.region"() ({
      %run_scoped3A = memref.alloca() : memref<2x1x1x128xi32, #tpu.memory_space<vmem>>
      %run_scoped3A_7 = tpu.sem_alloc : memref<2x!tpu.dma_semaphore, #tpu.memory_space<semaphore_mem>>
      %run_scoped3A_8 = memref.alloca() : memref<2x128x256xf32, #tpu.memory_space<vmem>>
      %run_scoped3A_9 = tpu.sem_alloc : memref<2x!tpu.dma_semaphore, #tpu.memory_space<semaphore_mem>>
      %add3A_10 = arith.constant 0 : i32
      %add3A_11 = arith.addi %add3A_10, %mul3A_6 : i32
      %select_n3A = arith.constant true
      %select_n3A_12 = arith.constant 0 : i32
      %select_n3A_13 = arith.constant -1 : i32
      %select_n3A_14 = arith.select %select_n3A, %select_n3A_13, %select_n3A_12 : i32
      %eq3A = arith.constant -1 : i32
      %eq3A_15 = arith.cmpi eq, %select_n3A_14, %eq3A : i32
      %select_n3A_16 = arith.constant 10 : i32
      %select_n3A_17 = arith.select %eq3A_15, %select_n3A_16, %select_n3A_14 : i32
      %add3A_18 = arith.addi %select_n3A_17, %mul3A_6 : i32
      %select_n3A_19 = arith.constant true
      %select_n3A_20 = arith.constant 0 : i32
      %select_n3A_21 = arith.constant 1 : i32
      %select_n3A_22 = arith.select %select_n3A_19, %select_n3A_21, %select_n3A_20 : i32
      %eq3A_23 = arith.constant 11 : i32
      %eq3A_24 = arith.cmpi eq, %select_n3A_22, %eq3A_23 : i32
      %select_n3A_25 = arith.constant 0 : i32
      %select_n3A_26 = arith.select %eq3A_24, %select_n3A_25, %select_n3A_22 : i32
      %add3A_27 = arith.addi %select_n3A_26, %mul3A_6 : i32
      %add3A_28 = arith.constant 1 : i32
      %add3A_29 = arith.addi %select_n3A_26, %add3A_28 : i32
      %select_n3A_30 = arith.constant true
      %select_n3A_31 = arith.select %select_n3A_30, %add3A_29, %select_n3A_26 : i32
      %eq3A_32 = arith.constant 11 : i32
      %eq3A_33 = arith.cmpi eq, %select_n3A_31, %eq3A_32 : i32
      %select_n3A_34 = arith.constant 0 : i32
      %select_n3A_35 = arith.select %eq3A_33, %select_n3A_34, %select_n3A_31 : i32
      %add3A_36 = arith.addi %select_n3A_35, %mul3A_6 : i32
      "tpu.trace_start"() <{level = 10 : i32, message = "ep_initialize_0"}> : () -> ()
      %rem3A = arith.constant 0 : i32
      %rem3A_37 = arith.constant 2 : i32
      %rem3A_38 = arith.remui %rem3A, %rem3A_37 : i32
      %mul3A_39 = arith.constant 1 : i32
      %mul3A_40 = arith.muli %mul3A_39, %add3A_11 : i32
      %dma_start3A = arith.constant 0 : i32
      %dma_start3A_41 = arith.constant 0 : i32
      %dma_start3A_42 = arith.constant 0 : i32
      %dma_start3A_43 = tpu.memref_slice %run_scoped3A[%rem3A_38, %dma_start3A, %dma_start3A_41, %dma_start3A_42] : memref<2x1x1x128xi32, #tpu.memory_space<vmem>> -> memref<1x1x1x128xi32, #tpu.memory_space<vmem>>
      %dma_start3A_44 = tpu.memref_squeeze %dma_start3A_43 : memref<1x1x1x128xi32, #tpu.memory_space<vmem>> -> memref<1x1x128xi32, #tpu.memory_space<vmem>>
      %dma_start3A_45 = arith.constant 0 : i32
      %dma_start3A_46 = arith.constant 0 : i32
      %dma_start3A_47 = tpu.memref_slice %arg3[%mul3A_40, %dma_start3A_45, %dma_start3A_46] : memref<352x1x128xi32, #tpu.memory_space<hbm>> -> memref<1x1x128xi32, #tpu.memory_space<hbm>>
      %dma_start3A_48 = tpu.memref_slice %run_scoped3A_7[%rem3A_38] : memref<2x!tpu.dma_semaphore, #tpu.memory_space<semaphore_mem>> -> memref<1x!tpu.dma_semaphore, #tpu.memory_space<semaphore_mem>>
      %dma_start3A_49 = tpu.memref_squeeze %dma_start3A_48 : memref<1x!tpu.dma_semaphore, #tpu.memory_space<semaphore_mem>> -> memref<!tpu.dma_semaphore, #tpu.memory_space<semaphore_mem>>
      %dma_start3A_50 = arith.constant 0 : i32
      %dma_start3A_51 = arith.constant 0 : i32
      %dma_start3A_52 = arith.constant 0 : i32
      %dma_start3A_53 = tpu.memref_slice %run_scoped3A[%rem3A_38, %dma_start3A_50, %dma_start3A_51, %dma_start3A_52] : memref<2x1x1x128xi32, #tpu.memory_space<vmem>> -> memref<1x1x1x128xi32, #tpu.memory_space<vmem>>
      %dma_start3A_54 = tpu.memref_squeeze %dma_start3A_53 : memref<1x1x1x128xi32, #tpu.memory_space<vmem>> -> memref<1x1x128xi32, #tpu.memory_space<vmem>>
      %dma_start3A_55 = arith.constant 0 : i32
      %dma_start3A_56 = arith.constant 0 : i32
      %dma_start3A_57 = tpu.memref_slice %arg3[%mul3A_40, %dma_start3A_55, %dma_start3A_56] : memref<352x1x128xi32, #tpu.memory_space<hbm>> -> memref<1x1x128xi32, #tpu.memory_space<hbm>>
      tpu.enqueue_dma source(%dma_start3A_57 : memref<1x1x128xi32, #tpu.memory_space<hbm>>) target(%dma_start3A_54 : memref<1x1x128xi32, #tpu.memory_space<vmem>>) target_semaphore(%dma_start3A_49 : memref<!tpu.dma_semaphore, #tpu.memory_space<semaphore_mem>>)
      %add3A_58 = arith.constant 0 : i32
      %add3A_59 = arith.constant 1 : i32
      %add3A_60 = arith.addi %add3A_58, %add3A_59 : i32
      %select_n3A_61 = arith.constant true
      %select_n3A_62 = arith.constant 0 : i32
      %select_n3A_63 = arith.select %select_n3A_61, %add3A_60, %select_n3A_62 : i32
      "tpu.trace_stop"() : () -> ()
      %scan3A = arith.constant 0 : i32
      %scan3A_64 = arith.constant 0 : i32
      %scan3A_65 = arith.constant 0 : i32
      %scan3A_66 = arith.constant 0 : i32
      %scan3A_67 = arith.constant 0 : i32
      %scan3A_68 = arith.constant 11 : i32
      %scan3A_69 = arith.addi %scan3A_67, %scan3A_68 : i32
      %scan3A_70 = arith.constant 1 : i32
      %scan3A_71:5 = scf.for %scan3A_125 = %scan3A_67 to %scan3A_69 step %scan3A_70 iter_args(%scan3A_126 = %select_n3A_63, %scan3A_127 = %scan3A, %scan3A_128 = %scan3A_64, %scan3A_129 = %scan3A_65, %scan3A_130 = %scan3A_66) -> (i32, i32, i32, i32, i32)  : i32 {
        %eq3A_131 = arith.constant 0 : i32
        %eq3A_132 = arith.cmpi eq, %scan3A_125, %eq3A_131 : i32
        %eq3A_133 = arith.constant 10 : i32
        %eq3A_134 = arith.cmpi eq, %scan3A_125, %eq3A_133 : i32
        %add3A_135 = arith.addi %scan3A_130, %mul3A_6 : i32
        %sub3A_136 = arith.constant 1 : i32
        %sub3A_137 = arith.subi %scan3A_130, %sub3A_136 : i32
        %select_n3A_138 = arith.constant true
        %select_n3A_139 = arith.select %select_n3A_138, %sub3A_137, %scan3A_130 : i32
        %eq3A_140 = arith.constant -1 : i32
        %eq3A_141 = arith.cmpi eq, %select_n3A_139, %eq3A_140 : i32
        %select_n3A_142 = arith.constant 10 : i32
        %select_n3A_143 = arith.select %eq3A_141, %select_n3A_142, %select_n3A_139 : i32
        %add3A_144 = arith.addi %select_n3A_143, %mul3A_6 : i32
        %add3A_145 = arith.constant 1 : i32
        %add3A_146 = arith.addi %scan3A_130, %add3A_145 : i32
        %select_n3A_147 = arith.constant true
        %select_n3A_148 = arith.select %select_n3A_147, %add3A_146, %scan3A_130 : i32
        %eq3A_149 = arith.constant 11 : i32
        %eq3A_150 = arith.cmpi eq, %select_n3A_148, %eq3A_149 : i32
        %select_n3A_151 = arith.constant 0 : i32
        %select_n3A_152 = arith.select %eq3A_150, %select_n3A_151, %select_n3A_148 : i32
        %add3A_153 = arith.addi %select_n3A_152, %mul3A_6 : i32
        %add3A_154 = arith.constant 1 : i32
        %add3A_155 = arith.addi %select_n3A_152, %add3A_154 : i32
        %select_n3A_156 = arith.constant true
        %select_n3A_157 = arith.select %select_n3A_156, %add3A_155, %select_n3A_152 : i32
        %eq3A_158 = arith.constant 11 : i32
        %eq3A_159 = arith.cmpi eq, %select_n3A_157, %eq3A_158 : i32
        %select_n3A_160 = arith.constant 0 : i32
        %select_n3A_161 = arith.select %eq3A_159, %select_n3A_160, %select_n3A_157 : i32
        %add3A_162 = arith.addi %select_n3A_161, %mul3A_6 : i32
        %ne3A = arith.cmpi ne, %add3A_135, %add3A_153 : i32
        %or3A = arith.constant false
        %or3A_163 = arith.ori %or3A, %ne3A : i1
        %or3A_164 = arith.constant false
        %or3A_165 = arith.ori %or3A_163, %or3A_164 : i1
        %or3A_166 = arith.constant false
        %or3A_167 = arith.ori %or3A_165, %or3A_166 : i1
        %ge3A = arith.constant 10 : i32
        %ge3A_168 = arith.cmpi sge, %scan3A_125, %ge3A : i32
        %not3A = arith.constant true
        %not3A_169 = arith.xori %ge3A_168, %not3A : i1
        %and3A = arith.andi %or3A_167, %not3A_169 : i1
        %convert_element_type3A = arith.extui %and3A : i1 to i32
        %cond3A = arith.constant 0 : i32
        %cond3A_170 = arith.cmpi ne, %convert_element_type3A, %cond3A : i32
        scf.if %cond3A_170 {
          "tpu.trace_start"() <{level = 10 : i32, message = "ep_copy_in"}> : () -> ()
          %rem3A_289 = arith.constant 2 : i32
          %rem3A_290 = arith.remui %scan3A_126, %rem3A_289 : i32
          %mul3A_291 = arith.constant 1 : i32
          %mul3A_292 = arith.muli %mul3A_291, %add3A_153 : i32
          %dma_start3A_293 = arith.constant 0 : i32
          %dma_start3A_294 = arith.constant 0 : i32
          %dma_start3A_295 = arith.constant 0 : i32
          %dma_start3A_296 = tpu.memref_slice %run_scoped3A[%rem3A_290, %dma_start3A_293, %dma_start3A_294, %dma_start3A_295] : memref<2x1x1x128xi32, #tpu.memory_space<vmem>> -> memref<1x1x1x128xi32, #tpu.memory_space<vmem>>
          %dma_start3A_297 = tpu.memref_squeeze %dma_start3A_296 : memref<1x1x1x128xi32, #tpu.memory_space<vmem>> -> memref<1x1x128xi32, #tpu.memory_space<vmem>>
          %dma_start3A_298 = arith.constant 0 : i32
          %dma_start3A_299 = arith.constant 0 : i32
          %dma_start3A_300 = tpu.memref_slice %arg3[%mul3A_292, %dma_start3A_298, %dma_start3A_299] : memref<352x1x128xi32, #tpu.memory_space<hbm>> -> memref<1x1x128xi32, #tpu.memory_space<hbm>>
          %dma_start3A_301 = tpu.memref_slice %run_scoped3A_7[%rem3A_290] : memref<2x!tpu.dma_semaphore, #tpu.memory_space<semaphore_mem>> -> memref<1x!tpu.dma_semaphore, #tpu.memory_space<semaphore_mem>>
          %dma_start3A_302 = tpu.memref_squeeze %dma_start3A_301 : memref<1x!tpu.dma_semaphore, #tpu.memory_space<semaphore_mem>> -> memref<!tpu.dma_semaphore, #tpu.memory_space<semaphore_mem>>
          %dma_start3A_303 = arith.constant 0 : i32
          %dma_start3A_304 = arith.constant 0 : i32
          %dma_start3A_305 = arith.constant 0 : i32
          %dma_start3A_306 = tpu.memref_slice %run_scoped3A[%rem3A_290, %dma_start3A_303, %dma_start3A_304, %dma_start3A_305] : memref<2x1x1x128xi32, #tpu.memory_space<vmem>> -> memref<1x1x1x128xi32, #tpu.memory_space<vmem>>
          %dma_start3A_307 = tpu.memref_squeeze %dma_start3A_306 : memref<1x1x1x128xi32, #tpu.memory_space<vmem>> -> memref<1x1x128xi32, #tpu.memory_space<vmem>>
          %dma_start3A_308 = arith.constant 0 : i32
          %dma_start3A_309 = arith.constant 0 : i32
          %dma_start3A_310 = tpu.memref_slice %arg3[%mul3A_292, %dma_start3A_308, %dma_start3A_309] : memref<352x1x128xi32, #tpu.memory_space<hbm>> -> memref<1x1x128xi32, #tpu.memory_space<hbm>>
          tpu.enqueue_dma source(%dma_start3A_310 : memref<1x1x128xi32, #tpu.memory_space<hbm>>) target(%dma_start3A_307 : memref<1x1x128xi32, #tpu.memory_space<vmem>>) target_semaphore(%dma_start3A_302 : memref<!tpu.dma_semaphore, #tpu.memory_space<semaphore_mem>>)
          "tpu.trace_stop"() : () -> ()
        } else {
        }
        %and3A_171 = arith.constant true
        %and3A_172 = arith.andi %and3A, %and3A_171 : i1
        %add3A_173 = arith.constant 1 : i32
        %add3A_174 = arith.addi %scan3A_126, %add3A_173 : i32
        %select_n3A_175 = arith.select %and3A_172, %add3A_174, %scan3A_126 : i32
        %ne3A_176 = arith.cmpi ne, %add3A_135, %add3A_153 : i32
        %or3A_177 = arith.constant false
        %or3A_178 = arith.ori %or3A_177, %ne3A_176 : i1
        %or3A_179 = arith.constant false
        %or3A_180 = arith.ori %or3A_178, %or3A_179 : i1
        %ge3A_181 = arith.constant 10 : i32
        %ge3A_182 = arith.cmpi sge, %scan3A_125, %ge3A_181 : i32
        %not3A_183 = arith.constant true
        %not3A_184 = arith.xori %ge3A_182, %not3A_183 : i1
        %and3A_185 = arith.andi %or3A_180, %not3A_184 : i1
        %ne3A_186 = arith.cmpi ne, %add3A_135, %add3A_144 : i32
        %or3A_187 = arith.constant false
        %or3A_188 = arith.ori %or3A_187, %ne3A_186 : i1
        %or3A_189 = arith.constant false
        %or3A_190 = arith.ori %or3A_188, %or3A_189 : i1
        %or3A_191 = arith.constant false
        %or3A_192 = arith.ori %or3A_190, %or3A_191 : i1
        %or3A_193 = arith.ori %or3A_192, %eq3A_132 : i1
        %convert_element_type3A_194 = arith.extui %or3A_193 : i1 to i32
        %cond3A_195 = arith.constant 0 : i32
        %cond3A_196 = arith.cmpi ne, %convert_element_type3A_194, %cond3A_195 : i32
        scf.if %cond3A_196 {
          "tpu.trace_start"() <{level = 10 : i32, message = "ep_wait_in"}> : () -> ()
          %mul3A_289 = arith.constant 1 : i32
          %mul3A_290 = arith.muli %mul3A_289, %add3A_135 : i32
          %rem3A_291 = arith.constant 2 : i32
          %rem3A_292 = arith.remui %scan3A_127, %rem3A_291 : i32
          %dma_wait3A_293 = arith.constant 0 : i32
          %dma_wait3A_294 = arith.constant 0 : i32
          %dma_wait3A_295 = arith.constant 0 : i32
          %dma_wait3A_296 = tpu.memref_slice %run_scoped3A[%rem3A_292, %dma_wait3A_293, %dma_wait3A_294, %dma_wait3A_295] : memref<2x1x1x128xi32, #tpu.memory_space<vmem>> -> memref<1x1x1x128xi32, #tpu.memory_space<vmem>>
          %dma_wait3A_297 = tpu.memref_squeeze %dma_wait3A_296 : memref<1x1x1x128xi32, #tpu.memory_space<vmem>> -> memref<1x1x128xi32, #tpu.memory_space<vmem>>
          %dma_wait3A_298 = arith.constant 0 : i32
          %dma_wait3A_299 = arith.constant 0 : i32
          %dma_wait3A_300 = tpu.memref_slice %arg3[%mul3A_290, %dma_wait3A_298, %dma_wait3A_299] : memref<352x1x128xi32, #tpu.memory_space<hbm>> -> memref<1x1x128xi32, #tpu.memory_space<hbm>>
          %dma_wait3A_301 = tpu.memref_slice %run_scoped3A_7[%rem3A_292] : memref<2x!tpu.dma_semaphore, #tpu.memory_space<semaphore_mem>> -> memref<1x!tpu.dma_semaphore, #tpu.memory_space<semaphore_mem>>
          %dma_wait3A_302 = tpu.memref_squeeze %dma_wait3A_301 : memref<1x!tpu.dma_semaphore, #tpu.memory_space<semaphore_mem>> -> memref<!tpu.dma_semaphore, #tpu.memory_space<semaphore_mem>>
          %dma_wait3A_303 = arith.constant 0 : i32
          %dma_wait3A_304 = arith.constant 0 : i32
          %dma_wait3A_305 = arith.constant 0 : i32
          %dma_wait3A_306 = tpu.memref_slice %run_scoped3A[%rem3A_292, %dma_wait3A_303, %dma_wait3A_304, %dma_wait3A_305] : memref<2x1x1x128xi32, #tpu.memory_space<vmem>> -> memref<1x1x1x128xi32, #tpu.memory_space<vmem>>
          %dma_wait3A_307 = tpu.memref_squeeze %dma_wait3A_306 : memref<1x1x1x128xi32, #tpu.memory_space<vmem>> -> memref<1x1x128xi32, #tpu.memory_space<vmem>>
          %dma_wait3A_308 = arith.constant 0 : i32
          %dma_wait3A_309 = arith.constant 0 : i32
          %dma_wait3A_310 = tpu.memref_slice %arg3[%mul3A_290, %dma_wait3A_308, %dma_wait3A_309] : memref<352x1x128xi32, #tpu.memory_space<hbm>> -> memref<1x1x128xi32, #tpu.memory_space<hbm>>
          tpu.wait_dma2 semaphore(%dma_wait3A_302 : memref<!tpu.dma_semaphore, #tpu.memory_space<semaphore_mem>>) src(%dma_wait3A_310 : memref<1x1x128xi32, #tpu.memory_space<hbm>>) dst(%dma_wait3A_307 : memref<1x1x128xi32, #tpu.memory_space<vmem>>)
          "tpu.trace_stop"() : () -> ()
        } else {
        }
        %ne3A_197 = arith.cmpi ne, %add3A_135, %add3A_144 : i32
        %or3A_198 = arith.constant false
        %or3A_199 = arith.ori %or3A_198, %ne3A_197 : i1
        %or3A_200 = arith.constant false
        %or3A_201 = arith.ori %or3A_199, %or3A_200 : i1
        %or3A_202 = arith.ori %or3A_201, %eq3A_132 : i1
        %convert_element_type3A_203 = arith.extui %or3A_202 : i1 to i32
        %cond3A_204 = arith.constant 0 : i32
        %cond3A_205 = arith.cmpi ne, %convert_element_type3A_203, %cond3A_204 : i32
        scf.if %cond3A_205 {
        } else {
        }
        %rem3A_206 = arith.constant 2 : i32
        %rem3A_207 = arith.remui %scan3A_127, %rem3A_206 : i32
        %rem3A_208 = arith.constant 2 : i32
        %rem3A_209 = arith.remui %scan3A_128, %rem3A_208 : i32
        %run_scoped3A_210 = arith.constant 0 : i32
        %run_scoped3A_211 = arith.constant 0 : i32
        "tpu.trace_start"() <{level = 10 : i32, message = "ep_run_kernel"}> : () -> ()
        "tpu.region"() ({
          %run_scoped3A_289 = tpu.sem_alloc : memref<!tpu.dma_semaphore, #tpu.memory_space<semaphore_mem>>
          %dma_start3A_290 = arith.constant 0 : i32
          %dma_start3A_291 = arith.constant 0 : i32
          %dma_start3A_292 = tpu.memref_slice %run_scoped3A_8[%rem3A_209, %dma_start3A_290, %dma_start3A_291] : memref<2x128x256xf32, #tpu.memory_space<vmem>> -> memref<1x128x256xf32, #tpu.memory_space<vmem>>
          %dma_start3A_293 = tpu.memref_squeeze %dma_start3A_292 : memref<1x128x256xf32, #tpu.memory_space<vmem>> -> memref<128x256xf32, #tpu.memory_space<vmem>>
          %dma_start3A_294 = arith.constant 0 : i32
          %dma_start3A_295 = arith.constant 0 : i32
          %dma_start3A_296 = arith.constant 0 : i32
          %dma_start3A_297 = tpu.memref_slice %run_scoped3A[%rem3A_207, %dma_start3A_294, %dma_start3A_295, %dma_start3A_296] : memref<2x1x1x128xi32, #tpu.memory_space<vmem>> -> memref<1x1x1x128xi32, #tpu.memory_space<vmem>>
          %dma_start3A_298 = tpu.memref_squeeze %dma_start3A_297 : memref<1x1x1x128xi32, #tpu.memory_space<vmem>> -> memref<1x1x128xi32, #tpu.memory_space<vmem>>
          %dma_start3A_299 = arith.constant 0 : i32
          %dma_start3A_300 = tpu.memref_slice %dma_start3A_298[%run_scoped3A_210, %run_scoped3A_211, %dma_start3A_299] : memref<1x1x128xi32, #tpu.memory_space<vmem>> -> memref<1x1x128xi32, #tpu.memory_space<vmem>>
          %dma_start3A_301 = tpu.memref_squeeze %dma_start3A_300 : memref<1x1x128xi32, #tpu.memory_space<vmem>> -> memref<128xi32, #tpu.memory_space<vmem>>
          %dma_start3A_302 = arith.constant 0 : i32
          %dma_start3A_303 = arith.constant 0 : i32
          %dma_start3A_304 = tpu.memref_slice %arg2[%dma_start3A_302, %dma_start3A_303] : memref<45056x256xf32, #tpu.memory_space<hbm>> -> memref<45056x256xf32, #tpu.memory_space<hbm>>
          tpu.enqueue_indirect_dma source(%dma_start3A_304 : memref<45056x256xf32, #tpu.memory_space<hbm>>) target(%dma_start3A_293 : memref<128x256xf32, #tpu.memory_space<vmem>>) offsets(%dma_start3A_301 : memref<128xi32, #tpu.memory_space<vmem>>) semaphore(%run_scoped3A_289 : memref<!tpu.dma_semaphore, #tpu.memory_space<semaphore_mem>>)
          %dma_wait3A_305 = arith.constant 0 : i32
          %dma_wait3A_306 = arith.constant 0 : i32
          %dma_wait3A_307 = tpu.memref_slice %run_scoped3A_8[%rem3A_209, %dma_wait3A_305, %dma_wait3A_306] : memref<2x128x256xf32, #tpu.memory_space<vmem>> -> memref<1x128x256xf32, #tpu.memory_space<vmem>>
          %dma_wait3A_308 = tpu.memref_squeeze %dma_wait3A_307 : memref<1x128x256xf32, #tpu.memory_space<vmem>> -> memref<128x256xf32, #tpu.memory_space<vmem>>
          %dma_wait3A_309 = arith.constant 0 : i32
          %dma_wait3A_310 = arith.constant 0 : i32
          %dma_wait3A_311 = arith.constant 0 : i32
          %dma_wait3A_312 = tpu.memref_slice %run_scoped3A[%rem3A_207, %dma_wait3A_309, %dma_wait3A_310, %dma_wait3A_311] : memref<2x1x1x128xi32, #tpu.memory_space<vmem>> -> memref<1x1x1x128xi32, #tpu.memory_space<vmem>>
          %dma_wait3A_313 = tpu.memref_squeeze %dma_wait3A_312 : memref<1x1x1x128xi32, #tpu.memory_space<vmem>> -> memref<1x1x128xi32, #tpu.memory_space<vmem>>
          %dma_wait3A_314 = arith.constant 0 : i32
          %dma_wait3A_315 = tpu.memref_slice %dma_wait3A_313[%run_scoped3A_210, %run_scoped3A_211, %dma_wait3A_314] : memref<1x1x128xi32, #tpu.memory_space<vmem>> -> memref<1x1x128xi32, #tpu.memory_space<vmem>>
          %dma_wait3A_316 = tpu.memref_squeeze %dma_wait3A_315 : memref<1x1x128xi32, #tpu.memory_space<vmem>> -> memref<128xi32, #tpu.memory_space<vmem>>
          %dma_wait3A_317 = arith.constant 0 : i32
          %dma_wait3A_318 = arith.constant 0 : i32
          %dma_wait3A_319 = tpu.memref_slice %arg2[%dma_wait3A_317, %dma_wait3A_318] : memref<45056x256xf32, #tpu.memory_space<hbm>> -> memref<45056x256xf32, #tpu.memory_space<hbm>>
          tpu.wait_indirect_dma semaphore(%run_scoped3A_289 : memref<!tpu.dma_semaphore, #tpu.memory_space<semaphore_mem>>) src(%dma_wait3A_319 : memref<45056x256xf32, #tpu.memory_space<hbm>>) dst(%dma_wait3A_308 : memref<128x256xf32, #tpu.memory_space<vmem>>)
          tpu.yield
        }) : () -> ()
        "tpu.trace_stop"() : () -> ()
        %ne3A_212 = arith.cmpi ne, %add3A_135, %add3A_153 : i32
        %or3A_213 = arith.constant false
        %or3A_214 = arith.ori %or3A_213, %ne3A_212 : i1
        %or3A_215 = arith.constant false
        %or3A_216 = arith.ori %or3A_214, %or3A_215 : i1
        %or3A_217 = arith.constant false
        %or3A_218 = arith.ori %or3A_216, %or3A_217 : i1
        %or3A_219 = arith.ori %or3A_218, %eq3A_134 : i1
        %convert_element_type3A_220 = arith.extui %or3A_219 : i1 to i32
        %cond3A_221 = arith.constant 0 : i32
        %cond3A_222 = arith.cmpi ne, %convert_element_type3A_220, %cond3A_221 : i32
        scf.if %cond3A_222 {
        } else {
        }
        %and3A_223 = arith.constant false
        %and3A_224 = arith.andi %or3A_219, %and3A_223 : i1
        %ne3A_225 = arith.cmpi ne, %add3A_135, %add3A_153 : i32
        %or3A_226 = arith.constant false
        %or3A_227 = arith.ori %or3A_226, %ne3A_225 : i1
        %or3A_228 = arith.constant false
        %or3A_229 = arith.ori %or3A_227, %or3A_228 : i1
        %or3A_230 = arith.ori %or3A_229, %eq3A_134 : i1
        %convert_element_type3A_231 = arith.extui %or3A_230 : i1 to i32
        %cond3A_232 = arith.constant 0 : i32
        %cond3A_233 = arith.cmpi ne, %convert_element_type3A_231, %cond3A_232 : i32
        scf.if %cond3A_233 {
          "tpu.trace_start"() <{level = 10 : i32, message = "ep_copy_out"}> : () -> ()
          %rem3A_289 = arith.constant 2 : i32
          %rem3A_290 = arith.remui %scan3A_128, %rem3A_289 : i32
          %mul3A_291 = arith.constant 128 : i32
          %mul3A_292 = arith.muli %mul3A_291, %add3A_135 : i32
          %dma_start3A_293 = arith.constant 0 : i32
          %dma_start3A_294 = arith.constant 0 : i32
          %dma_start3A_295 = tpu.memref_slice %run_scoped3A_8[%rem3A_290, %dma_start3A_293, %dma_start3A_294] : memref<2x128x256xf32, #tpu.memory_space<vmem>> -> memref<1x128x256xf32, #tpu.memory_space<vmem>>
          %dma_start3A_296 = tpu.memref_squeeze %dma_start3A_295 : memref<1x128x256xf32, #tpu.memory_space<vmem>> -> memref<128x256xf32, #tpu.memory_space<vmem>>
          %dma_start3A_297 = arith.constant 0 : i32
          %dma_start3A_298 = tpu.memref_slice %arg4[%mul3A_292, %dma_start3A_297] : memref<45056x256xf32, #tpu.memory_space<hbm>> -> memref<128x256xf32, #tpu.memory_space<hbm>>
          %dma_start3A_299 = tpu.memref_slice %run_scoped3A_9[%rem3A_290] : memref<2x!tpu.dma_semaphore, #tpu.memory_space<semaphore_mem>> -> memref<1x!tpu.dma_semaphore, #tpu.memory_space<semaphore_mem>>
          %dma_start3A_300 = tpu.memref_squeeze %dma_start3A_299 : memref<1x!tpu.dma_semaphore, #tpu.memory_space<semaphore_mem>> -> memref<!tpu.dma_semaphore, #tpu.memory_space<semaphore_mem>>
          %dma_start3A_301 = arith.constant 0 : i32
          %dma_start3A_302 = tpu.memref_slice %arg4[%mul3A_292, %dma_start3A_301] : memref<45056x256xf32, #tpu.memory_space<hbm>> -> memref<128x256xf32, #tpu.memory_space<hbm>>
          %dma_start3A_303 = arith.constant 0 : i32
          %dma_start3A_304 = arith.constant 0 : i32
          %dma_start3A_305 = tpu.memref_slice %run_scoped3A_8[%rem3A_290, %dma_start3A_303, %dma_start3A_304] : memref<2x128x256xf32, #tpu.memory_space<vmem>> -> memref<1x128x256xf32, #tpu.memory_space<vmem>>
          %dma_start3A_306 = tpu.memref_squeeze %dma_start3A_305 : memref<1x128x256xf32, #tpu.memory_space<vmem>> -> memref<128x256xf32, #tpu.memory_space<vmem>>
          tpu.enqueue_dma source(%dma_start3A_306 : memref<128x256xf32, #tpu.memory_space<vmem>>) target(%dma_start3A_302 : memref<128x256xf32, #tpu.memory_space<hbm>>) target_semaphore(%dma_start3A_300 : memref<!tpu.dma_semaphore, #tpu.memory_space<semaphore_mem>>)
          "tpu.trace_stop"() : () -> ()
        } else {
        }
        %and3A_234 = arith.constant true
        %and3A_235 = arith.andi %or3A_230, %and3A_234 : i1
        %add3A_236 = arith.constant 1 : i32
        %add3A_237 = arith.addi %scan3A_128, %add3A_236 : i32
        %select_n3A_238 = arith.select %and3A_235, %add3A_237, %scan3A_128 : i32
        %ne3A_239 = arith.cmpi ne, %add3A_135, %add3A_144 : i32
        %or3A_240 = arith.constant false
        %or3A_241 = arith.ori %or3A_240, %ne3A_239 : i1
        %or3A_242 = arith.constant false
        %or3A_243 = arith.ori %or3A_241, %or3A_242 : i1
        %or3A_244 = arith.constant false
        %or3A_245 = arith.ori %or3A_243, %or3A_244 : i1
        %not3A_246 = arith.constant true
        %not3A_247 = arith.xori %eq3A_132, %not3A_246 : i1
        %and3A_248 = arith.andi %or3A_245, %not3A_247 : i1
        %convert_element_type3A_249 = arith.extui %and3A_248 : i1 to i32
        %cond3A_250 = arith.constant 0 : i32
        %cond3A_251 = arith.cmpi ne, %convert_element_type3A_249, %cond3A_250 : i32
        scf.if %cond3A_251 {
        } else {
        }
        %and3A_252 = arith.constant false
        %and3A_253 = arith.andi %and3A_248, %and3A_252 : i1
        %ne3A_254 = arith.cmpi ne, %add3A_135, %add3A_144 : i32
        %or3A_255 = arith.constant false
        %or3A_256 = arith.ori %or3A_255, %ne3A_254 : i1
        %or3A_257 = arith.constant false
        %or3A_258 = arith.ori %or3A_256, %or3A_257 : i1
        %not3A_259 = arith.constant true
        %not3A_260 = arith.xori %eq3A_132, %not3A_259 : i1
        %and3A_261 = arith.andi %or3A_258, %not3A_260 : i1
        %convert_element_type3A_262 = arith.extui %and3A_261 : i1 to i32
        %cond3A_263 = arith.constant 0 : i32
        %cond3A_264 = arith.cmpi ne, %convert_element_type3A_262, %cond3A_263 : i32
        scf.if %cond3A_264 {
          "tpu.trace_start"() <{level = 10 : i32, message = "ep_wait_out"}> : () -> ()
          %rem3A_289 = arith.constant 2 : i32
          %rem3A_290 = arith.remui %scan3A_129, %rem3A_289 : i32
          %mul3A_291 = arith.constant 128 : i32
          %mul3A_292 = arith.muli %mul3A_291, %add3A_144 : i32
          %dma_wait3A_293 = arith.constant 0 : i32
          %dma_wait3A_294 = arith.constant 0 : i32
          %dma_wait3A_295 = tpu.memref_slice %run_scoped3A_8[%rem3A_290, %dma_wait3A_293, %dma_wait3A_294] : memref<2x128x256xf32, #tpu.memory_space<vmem>> -> memref<1x128x256xf32, #tpu.memory_space<vmem>>
          %dma_wait3A_296 = tpu.memref_squeeze %dma_wait3A_295 : memref<1x128x256xf32, #tpu.memory_space<vmem>> -> memref<128x256xf32, #tpu.memory_space<vmem>>
          %dma_wait3A_297 = arith.constant 0 : i32
          %dma_wait3A_298 = tpu.memref_slice %arg4[%mul3A_292, %dma_wait3A_297] : memref<45056x256xf32, #tpu.memory_space<hbm>> -> memref<128x256xf32, #tpu.memory_space<hbm>>
          %dma_wait3A_299 = tpu.memref_slice %run_scoped3A_9[%rem3A_290] : memref<2x!tpu.dma_semaphore, #tpu.memory_space<semaphore_mem>> -> memref<1x!tpu.dma_semaphore, #tpu.memory_space<semaphore_mem>>
          %dma_wait3A_300 = tpu.memref_squeeze %dma_wait3A_299 : memref<1x!tpu.dma_semaphore, #tpu.memory_space<semaphore_mem>> -> memref<!tpu.dma_semaphore, #tpu.memory_space<semaphore_mem>>
          %dma_wait3A_301 = arith.constant 0 : i32
          %dma_wait3A_302 = tpu.memref_slice %arg4[%mul3A_292, %dma_wait3A_301] : memref<45056x256xf32, #tpu.memory_space<hbm>> -> memref<128x256xf32, #tpu.memory_space<hbm>>
          %dma_wait3A_303 = arith.constant 0 : i32
          %dma_wait3A_304 = arith.constant 0 : i32
          %dma_wait3A_305 = tpu.memref_slice %run_scoped3A_8[%rem3A_290, %dma_wait3A_303, %dma_wait3A_304] : memref<2x128x256xf32, #tpu.memory_space<vmem>> -> memref<1x128x256xf32, #tpu.memory_space<vmem>>
          %dma_wait3A_306 = tpu.memref_squeeze %dma_wait3A_305 : memref<1x128x256xf32, #tpu.memory_space<vmem>> -> memref<128x256xf32, #tpu.memory_space<vmem>>
          tpu.wait_dma2 semaphore(%dma_wait3A_300 : memref<!tpu.dma_semaphore, #tpu.memory_space<semaphore_mem>>) src(%dma_wait3A_306 : memref<128x256xf32, #tpu.memory_space<vmem>>) dst(%dma_wait3A_302 : memref<128x256xf32, #tpu.memory_space<hbm>>)
          "tpu.trace_stop"() : () -> ()
        } else {
        }
        %and3A_265 = arith.constant true
        %and3A_266 = arith.andi %and3A_261, %and3A_265 : i1
        %add3A_267 = arith.constant 1 : i32
        %add3A_268 = arith.addi %scan3A_129, %add3A_267 : i32
        %select_n3A_269 = arith.select %and3A_266, %add3A_268, %scan3A_129 : i32
        %ne3A_270 = arith.cmpi ne, %add3A_135, %add3A_153 : i32
        %or3A_271 = arith.constant false
        %or3A_272 = arith.ori %or3A_271, %ne3A_270 : i1
        %or3A_273 = arith.constant false
        %or3A_274 = arith.ori %or3A_272, %or3A_273 : i1
        %or3A_275 = arith.constant false
        %or3A_276 = arith.ori %or3A_274, %or3A_275 : i1
        %or3A_277 = arith.ori %or3A_276, %eq3A_134 : i1
        %add3A_278 = arith.constant 1 : i32
        %add3A_279 = arith.addi %scan3A_127, %add3A_278 : i32
        %select_n3A_280 = arith.select %or3A_277, %add3A_279, %scan3A_127 : i32
        %add3A_281 = arith.constant 1 : i32
        %add3A_282 = arith.addi %scan3A_130, %add3A_281 : i32
        %select_n3A_283 = arith.constant true
        %select_n3A_284 = arith.select %select_n3A_283, %add3A_282, %scan3A_130 : i32
        %eq3A_285 = arith.constant 11 : i32
        %eq3A_286 = arith.cmpi eq, %select_n3A_284, %eq3A_285 : i32
        %select_n3A_287 = arith.constant 0 : i32
        %select_n3A_288 = arith.select %eq3A_286, %select_n3A_287, %select_n3A_284 : i32
        scf.yield %select_n3A_175, %select_n3A_280, %select_n3A_238, %select_n3A_269, %select_n3A_288 : i32, i32, i32, i32, i32
      }
      %scan3A_72 = arith.constant 11 : i32
      %sub3A = arith.constant 1 : i32
      %sub3A_73 = arith.subi %scan3A_71#4, %sub3A : i32
      %select_n3A_74 = arith.constant true
      %select_n3A_75 = arith.select %select_n3A_74, %sub3A_73, %scan3A_71#4 : i32
      %eq3A_76 = arith.constant -1 : i32
      %eq3A_77 = arith.cmpi eq, %select_n3A_75, %eq3A_76 : i32
      %select_n3A_78 = arith.constant 10 : i32
      %select_n3A_79 = arith.select %eq3A_77, %select_n3A_78, %select_n3A_75 : i32
      %add3A_80 = arith.addi %select_n3A_79, %mul3A_6 : i32
      %sub3A_81 = arith.constant 1 : i32
      %sub3A_82 = arith.subi %select_n3A_79, %sub3A_81 : i32
      %select_n3A_83 = arith.constant true
      %select_n3A_84 = arith.select %select_n3A_83, %sub3A_82, %select_n3A_79 : i32
      %eq3A_85 = arith.constant -1 : i32
      %eq3A_86 = arith.cmpi eq, %select_n3A_84, %eq3A_85 : i32
      %select_n3A_87 = arith.constant 10 : i32
      %select_n3A_88 = arith.select %eq3A_86, %select_n3A_87, %select_n3A_84 : i32
      %add3A_89 = arith.addi %select_n3A_88, %mul3A_6 : i32
      %add3A_90 = arith.constant 1 : i32
      %add3A_91 = arith.addi %select_n3A_79, %add3A_90 : i32
      %select_n3A_92 = arith.constant true
      %select_n3A_93 = arith.select %select_n3A_92, %add3A_91, %select_n3A_79 : i32
      %eq3A_94 = arith.constant 11 : i32
      %eq3A_95 = arith.cmpi eq, %select_n3A_93, %eq3A_94 : i32
      %select_n3A_96 = arith.constant 0 : i32
      %select_n3A_97 = arith.select %eq3A_95, %select_n3A_96, %select_n3A_93 : i32
      %add3A_98 = arith.addi %select_n3A_97, %mul3A_6 : i32
      %add3A_99 = arith.constant 1 : i32
      %add3A_100 = arith.addi %select_n3A_97, %add3A_99 : i32
      %select_n3A_101 = arith.constant true
      %select_n3A_102 = arith.select %select_n3A_101, %add3A_100, %select_n3A_97 : i32
      %eq3A_103 = arith.constant 11 : i32
      %eq3A_104 = arith.cmpi eq, %select_n3A_102, %eq3A_103 : i32
      %select_n3A_105 = arith.constant 0 : i32
      %select_n3A_106 = arith.select %eq3A_104, %select_n3A_105, %select_n3A_102 : i32
      %add3A_107 = arith.addi %select_n3A_106, %mul3A_6 : i32
      "tpu.trace_start"() <{level = 10 : i32, message = "ep_finalize"}> : () -> ()
      %rem3A_108 = arith.constant 2 : i32
      %rem3A_109 = arith.remui %scan3A_71#3, %rem3A_108 : i32
      %mul3A_110 = arith.constant 128 : i32
      %mul3A_111 = arith.muli %mul3A_110, %add3A_80 : i32
      %dma_wait3A = arith.constant 0 : i32
      %dma_wait3A_112 = arith.constant 0 : i32
      %dma_wait3A_113 = tpu.memref_slice %run_scoped3A_8[%rem3A_109, %dma_wait3A, %dma_wait3A_112] : memref<2x128x256xf32, #tpu.memory_space<vmem>> -> memref<1x128x256xf32, #tpu.memory_space<vmem>>
      %dma_wait3A_114 = tpu.memref_squeeze %dma_wait3A_113 : memref<1x128x256xf32, #tpu.memory_space<vmem>> -> memref<128x256xf32, #tpu.memory_space<vmem>>
      %dma_wait3A_115 = arith.constant 0 : i32
      %dma_wait3A_116 = tpu.memref_slice %arg4[%mul3A_111, %dma_wait3A_115] : memref<45056x256xf32, #tpu.memory_space<hbm>> -> memref<128x256xf32, #tpu.memory_space<hbm>>
      %dma_wait3A_117 = tpu.memref_slice %run_scoped3A_9[%rem3A_109] : memref<2x!tpu.dma_semaphore, #tpu.memory_space<semaphore_mem>> -> memref<1x!tpu.dma_semaphore, #tpu.memory_space<semaphore_mem>>
      %dma_wait3A_118 = tpu.memref_squeeze %dma_wait3A_117 : memref<1x!tpu.dma_semaphore, #tpu.memory_space<semaphore_mem>> -> memref<!tpu.dma_semaphore, #tpu.memory_space<semaphore_mem>>
      %dma_wait3A_119 = arith.constant 0 : i32
      %dma_wait3A_120 = tpu.memref_slice %arg4[%mul3A_111, %dma_wait3A_119] : memref<45056x256xf32, #tpu.memory_space<hbm>> -> memref<128x256xf32, #tpu.memory_space<hbm>>
      %dma_wait3A_121 = arith.constant 0 : i32
      %dma_wait3A_122 = arith.constant 0 : i32
      %dma_wait3A_123 = tpu.memref_slice %run_scoped3A_8[%rem3A_109, %dma_wait3A_121, %dma_wait3A_122] : memref<2x128x256xf32, #tpu.memory_space<vmem>> -> memref<1x128x256xf32, #tpu.memory_space<vmem>>
      %dma_wait3A_124 = tpu.memref_squeeze %dma_wait3A_123 : memref<1x128x256xf32, #tpu.memory_space<vmem>> -> memref<128x256xf32, #tpu.memory_space<vmem>>
      tpu.wait_dma2 semaphore(%dma_wait3A_118 : memref<!tpu.dma_semaphore, #tpu.memory_space<semaphore_mem>>) src(%dma_wait3A_124 : memref<128x256xf32, #tpu.memory_space<vmem>>) dst(%dma_wait3A_120 : memref<128x256xf32, #tpu.memory_space<hbm>>)
      "tpu.trace_stop"() : () -> ()
      tpu.yield
    }) : () -> ()
    return
  }
}

#map = affine_map<(d0, d1) -> (0, 0)>
#map1 = affine_map<(d0, d1) -> (0, 0, 0)>
module attributes {stable_mosaic.version = 14 : i64} {
  func.func @k(%arg0: i32, %arg1: i32, %arg2: memref<45056x256xf32, #tpu.memory_space<hbm>>, %arg3: memref<352x1x128xi32, #tpu.memory_space<hbm>>, %arg4: memref<45056x256xf32, #tpu.memory_space<hbm>>) attributes {dimension_semantics = [#tpu.dimension_semantics<core_parallel>, #tpu.dimension_semantics<subcore_parallel>], iteration_bounds = array<i64: 2, 16>, scalar_prefetch = 0 : i64, scratch_operands = 0 : i64, tpu.core_type = #tpu.core_type<sc_vector_subcore>, window_params = [{transform_indices = #map}, {transform_indices = #map1}, {transform_indices = #map}]} {
    %mul3A = arith.constant 1 : i32
    %mul3A_0 = arith.muli %arg1, %mul3A : i32
    %add3A = arith.constant 0 : i32
    %add3A_1 = arith.addi %add3A, %mul3A_0 : i32
    %mul3A_2 = arith.constant 16 : i32
    %mul3A_3 = arith.muli %arg0, %mul3A_2 : i32
    %add3A_4 = arith.addi %add3A_1, %mul3A_3 : i32
    %mul3A_5 = arith.constant 11 : i32
    %mul3A_6 = arith.muli %add3A_4, %mul3A_5 : i32
    "tpu.region"() ({
      %run_scoped3A = memref.alloca() : memref<2x1x1x128xi32, #tpu.memory_space<vmem>>
      %run_scoped3A_7 = tpu.sem_alloc : memref<2x!tpu.dma_semaphore, #tpu.memory_space<semaphore_mem>>
      %run_scoped3A_8 = memref.alloca() : memref<2x128x256xf32, #tpu.memory_space<vmem>>
      %run_scoped3A_9 = tpu.sem_alloc : memref<2x!tpu.dma_semaphore, #tpu.memory_space<semaphore_mem>>
      %add3A_10 = arith.constant 0 : i32
      %add3A_11 = arith.addi %add3A_10, %mul3A_6 : i32
      %select_n3A = arith.constant true
      %select_n3A_12 = arith.constant 0 : i32
      %select_n3A_13 = arith.constant -1 : i32
      %select_n3A_14 = arith.select %select_n3A, %select_n3A_13, %select_n3A_12 : i32
      %eq3A = arith.constant -1 : i32
      %eq3A_15 = arith.cmpi eq, %select_n3A_14, %eq3A : i32
      %select_n3A_16 = arith.constant 10 : i32
      %select_n3A_17 = arith.select %eq3A_15, %select_n3A_16, %select_n3A_14 : i32
      %add3A_18 = arith.addi %select_n3A_17, %mul3A_6 : i32
      %select_n3A_19 = arith.constant true
      %select_n3A_20 = arith.constant 0 : i32
      %select_n3A_21 = arith.constant 1 : i32
      %select_n3A_22 = arith.select %select_n3A_19, %select_n3A_21, %select_n3A_20 : i32
      %eq3A_23 = arith.constant 11 : i32
      %eq3A_24 = arith.cmpi eq, %select_n3A_22, %eq3A_23 : i32
      %select_n3A_25 = arith.constant 0 : i32
      %select_n3A_26 = arith.select %eq3A_24, %select_n3A_25, %select_n3A_22 : i32
      %add3A_27 = arith.addi %select_n3A_26, %mul3A_6 : i32
      %add3A_28 = arith.constant 1 : i32
      %add3A_29 = arith.addi %select_n3A_26, %add3A_28 : i32
      %select_n3A_30 = arith.constant true
      %select_n3A_31 = arith.select %select_n3A_30, %add3A_29, %select_n3A_26 : i32
      %eq3A_32 = arith.constant 11 : i32
      %eq3A_33 = arith.cmpi eq, %select_n3A_31, %eq3A_32 : i32
      %select_n3A_34 = arith.constant 0 : i32
      %select_n3A_35 = arith.select %eq3A_33, %select_n3A_34, %select_n3A_31 : i32
      %add3A_36 = arith.addi %select_n3A_35, %mul3A_6 : i32
      "tpu.trace_start"() <{level = 10 : i32, message = "ep_initialize_0"}> : () -> ()
      %rem3A = arith.constant 0 : i32
      %rem3A_37 = arith.constant 2 : i32
      %rem3A_38 = arith.remui %rem3A, %rem3A_37 : i32
      %mul3A_39 = arith.constant 1 : i32
      %mul3A_40 = arith.muli %mul3A_39, %add3A_11 : i32
      %dma_start3A = arith.constant 0 : i32
      %dma_start3A_41 = arith.constant 0 : i32
      %dma_start3A_42 = arith.constant 0 : i32
      %dma_start3A_43 = tpu.memref_slice %run_scoped3A[%rem3A_38, %dma_start3A, %dma_start3A_41, %dma_start3A_42] : memref<2x1x1x128xi32, #tpu.memory_space<vmem>> -> memref<1x1x1x128xi32, #tpu.memory_space<vmem>>
      %dma_start3A_44 = tpu.memref_squeeze %dma_start3A_43 : memref<1x1x1x128xi32, #tpu.memory_space<vmem>> -> memref<1x1x128xi32, #tpu.memory_space<vmem>>
      %dma_start3A_45 = arith.constant 0 : i32
      %dma_start3A_46 = arith.constant 0 : i32
      %dma_start3A_47 = tpu.memref_slice %arg3[%mul3A_40, %dma_start3A_45, %dma_start3A_46] : memref<352x1x128xi32, #tpu.memory_space<hbm>> -> memref<1x1x128xi32, #tpu.memory_space<hbm>>
      %dma_start3A_48 = tpu.memref_slice %run_scoped3A_7[%rem3A_38] : memref<2x!tpu.dma_semaphore, #tpu.memory_space<semaphore_mem>> -> memref<1x!tpu.dma_semaphore, #tpu.memory_space<semaphore_mem>>
      %dma_start3A_49 = tpu.memref_squeeze %dma_start3A_48 : memref<1x!tpu.dma_semaphore, #tpu.memory_space<semaphore_mem>> -> memref<!tpu.dma_semaphore, #tpu.memory_space<semaphore_mem>>
      %dma_start3A_50 = arith.constant 0 : i32
      %dma_start3A_51 = arith.constant 0 : i32
      %dma_start3A_52 = arith.constant 0 : i32
      %dma_start3A_53 = tpu.memref_slice %run_scoped3A[%rem3A_38, %dma_start3A_50, %dma_start3A_51, %dma_start3A_52] : memref<2x1x1x128xi32, #tpu.memory_space<vmem>> -> memref<1x1x1x128xi32, #tpu.memory_space<vmem>>
      %dma_start3A_54 = tpu.memref_squeeze %dma_start3A_53 : memref<1x1x1x128xi32, #tpu.memory_space<vmem>> -> memref<1x1x128xi32, #tpu.memory_space<vmem>>
      %dma_start3A_55 = arith.constant 0 : i32
      %dma_start3A_56 = arith.constant 0 : i32
      %dma_start3A_57 = tpu.memref_slice %arg3[%mul3A_40, %dma_start3A_55, %dma_start3A_56] : memref<352x1x128xi32, #tpu.memory_space<hbm>> -> memref<1x1x128xi32, #tpu.memory_space<hbm>>
      tpu.enqueue_dma source(%dma_start3A_57 : memref<1x1x128xi32, #tpu.memory_space<hbm>>) target(%dma_start3A_54 : memref<1x1x128xi32, #tpu.memory_space<vmem>>) target_semaphore(%dma_start3A_49 : memref<!tpu.dma_semaphore, #tpu.memory_space<semaphore_mem>>)
      %add3A_58 = arith.constant 0 : i32
      %add3A_59 = arith.constant 1 : i32
      %add3A_60 = arith.addi %add3A_58, %add3A_59 : i32
      %select_n3A_61 = arith.constant true
      %select_n3A_62 = arith.constant 0 : i32
      %select_n3A_63 = arith.select %select_n3A_61, %add3A_60, %select_n3A_62 : i32
      "tpu.trace_stop"() : () -> ()
      %scan3A = arith.constant 0 : i32
      %scan3A_64 = arith.constant 0 : i32
      %scan3A_65 = arith.constant 0 : i32
      %scan3A_66 = arith.constant 0 : i32
      %scan3A_67 = arith.constant 0 : i32
      %scan3A_68 = arith.constant 11 : i32
      %scan3A_69 = arith.addi %scan3A_67, %scan3A_68 : i32
      %scan3A_70 = arith.constant 1 : i32
      %scan3A_71:5 = scf.for %scan3A_125 = %scan3A_67 to %scan3A_69 step %scan3A_70 iter_args(%scan3A_126 = %select_n3A_63, %scan3A_127 = %scan3A, %scan3A_128 = %scan3A_64, %scan3A_129 = %scan3A_65, %scan3A_130 = %scan3A_66) -> (i32, i32, i32, i32, i32)  : i32 {
        %eq3A_131 = arith.constant 0 : i32
        %eq3A_132 = arith.cmpi eq, %scan3A_125, %eq3A_131 : i32
        %eq3A_133 = arith.constant 10 : i32
        %eq3A_134 = arith.cmpi eq, %scan3A_125, %eq3A_133 : i32
        %add3A_135 = arith.addi %scan3A_130, %mul3A_6 : i32
        %sub3A_136 = arith.constant 1 : i32
        %sub3A_137 = arith.subi %scan3A_130, %sub3A_136 : i32
        %select_n3A_138 = arith.constant true
        %select_n3A_139 = arith.select %select_n3A_138, %sub3A_137, %scan3A_130 : i32
        %eq3A_140 = arith.constant -1 : i32
        %eq3A_141 = arith.cmpi eq, %select_n3A_139, %eq3A_140 : i32
        %select_n3A_142 = arith.constant 10 : i32
        %select_n3A_143 = arith.select %eq3A_141, %select_n3A_142, %select_n3A_139 : i32
        %add3A_144 = arith.addi %select_n3A_143, %mul3A_6 : i32
        %add3A_145 = arith.constant 1 : i32
        %add3A_146 = arith.addi %scan3A_130, %add3A_145 : i32
        %select_n3A_147 = arith.constant true
        %select_n3A_148 = arith.select %select_n3A_147, %add3A_146, %scan3A_130 : i32
        %eq3A_149 = arith.constant 11 : i32
        %eq3A_150 = arith.cmpi eq, %select_n3A_148, %eq3A_149 : i32
        %select_n3A_151 = arith.constant 0 : i32
        %select_n3A_152 = arith.select %eq3A_150, %select_n3A_151, %select_n3A_148 : i32
        %add3A_153 = arith.addi %select_n3A_152, %mul3A_6 : i32
        %add3A_154 = arith.constant 1 : i32
        %add3A_155 = arith.addi %select_n3A_152, %add3A_154 : i32
        %select_n3A_156 = arith.constant true
        %select_n3A_157 = arith.select %select_n3A_156, %add3A_155, %select_n3A_152 : i32
        %eq3A_158 = arith.constant 11 : i32
        %eq3A_159 = arith.cmpi eq, %select_n3A_157, %eq3A_158 : i32
        %select_n3A_160 = arith.constant 0 : i32
        %select_n3A_161 = arith.select %eq3A_159, %select_n3A_160, %select_n3A_157 : i32
        %add3A_162 = arith.addi %select_n3A_161, %mul3A_6 : i32
        %ne3A = arith.cmpi ne, %add3A_135, %add3A_153 : i32
        %or3A = arith.constant false
        %or3A_163 = arith.ori %or3A, %ne3A : i1
        %or3A_164 = arith.constant false
        %or3A_165 = arith.ori %or3A_163, %or3A_164 : i1
        %or3A_166 = arith.constant false
        %or3A_167 = arith.ori %or3A_165, %or3A_166 : i1
        %ge3A = arith.constant 10 : i32
        %ge3A_168 = arith.cmpi sge, %scan3A_125, %ge3A : i32
        %not3A = arith.constant true
        %not3A_169 = arith.xori %ge3A_168, %not3A : i1
        %and3A = arith.andi %or3A_167, %not3A_169 : i1
        %convert_element_type3A = arith.extui %and3A : i1 to i32
        %cond3A = arith.constant 0 : i32
        %cond3A_170 = arith.cmpi ne, %convert_element_type3A, %cond3A : i32
        scf.if %cond3A_170 {
          "tpu.trace_start"() <{level = 10 : i32, message = "ep_copy_in"}> : () -> ()
          %rem3A_289 = arith.constant 2 : i32
          %rem3A_290 = arith.remui %scan3A_126, %rem3A_289 : i32
          %mul3A_291 = arith.constant 1 : i32
          %mul3A_292 = arith.muli %mul3A_291, %add3A_153 : i32
          %dma_start3A_293 = arith.constant 0 : i32
          %dma_start3A_294 = arith.constant 0 : i32
          %dma_start3A_295 = arith.constant 0 : i32
          %dma_start3A_296 = tpu.memref_slice %run_scoped3A[%rem3A_290, %dma_start3A_293, %dma_start3A_294, %dma_start3A_295] : memref<2x1x1x128xi32, #tpu.memory_space<vmem>> -> memref<1x1x1x128xi32, #tpu.memory_space<vmem>>
          %dma_start3A_297 = tpu.memref_squeeze %dma_start3A_296 : memref<1x1x1x128xi32, #tpu.memory_space<vmem>> -> memref<1x1x128xi32, #tpu.memory_space<vmem>>
          %dma_start3A_298 = arith.constant 0 : i32
          %dma_start3A_299 = arith.constant 0 : i32
          %dma_start3A_300 = tpu.memref_slice %arg3[%mul3A_292, %dma_start3A_298, %dma_start3A_299] : memref<352x1x128xi32, #tpu.memory_space<hbm>> -> memref<1x1x128xi32, #tpu.memory_space<hbm>>
          %dma_start3A_301 = tpu.memref_slice %run_scoped3A_7[%rem3A_290] : memref<2x!tpu.dma_semaphore, #tpu.memory_space<semaphore_mem>> -> memref<1x!tpu.dma_semaphore, #tpu.memory_space<semaphore_mem>>
          %dma_start3A_302 = tpu.memref_squeeze %dma_start3A_301 : memref<1x!tpu.dma_semaphore, #tpu.memory_space<semaphore_mem>> -> memref<!tpu.dma_semaphore, #tpu.memory_space<semaphore_mem>>
          %dma_start3A_303 = arith.constant 0 : i32
          %dma_start3A_304 = arith.constant 0 : i32
          %dma_start3A_305 = arith.constant 0 : i32
          %dma_start3A_306 = tpu.memref_slice %run_scoped3A[%rem3A_290, %dma_start3A_303, %dma_start3A_304, %dma_start3A_305] : memref<2x1x1x128xi32, #tpu.memory_space<vmem>> -> memref<1x1x1x128xi32, #tpu.memory_space<vmem>>
          %dma_start3A_307 = tpu.memref_squeeze %dma_start3A_306 : memref<1x1x1x128xi32, #tpu.memory_space<vmem>> -> memref<1x1x128xi32, #tpu.memory_space<vmem>>
          %dma_start3A_308 = arith.constant 0 : i32
          %dma_start3A_309 = arith.constant 0 : i32
          %dma_start3A_310 = tpu.memref_slice %arg3[%mul3A_292, %dma_start3A_308, %dma_start3A_309] : memref<352x1x128xi32, #tpu.memory_space<hbm>> -> memref<1x1x128xi32, #tpu.memory_space<hbm>>
          tpu.enqueue_dma source(%dma_start3A_310 : memref<1x1x128xi32, #tpu.memory_space<hbm>>) target(%dma_start3A_307 : memref<1x1x128xi32, #tpu.memory_space<vmem>>) target_semaphore(%dma_start3A_302 : memref<!tpu.dma_semaphore, #tpu.memory_space<semaphore_mem>>)
          "tpu.trace_stop"() : () -> ()
        } else {
        }
        %and3A_171 = arith.constant true
        %and3A_172 = arith.andi %and3A, %and3A_171 : i1
        %add3A_173 = arith.constant 1 : i32
        %add3A_174 = arith.addi %scan3A_126, %add3A_173 : i32
        %select_n3A_175 = arith.select %and3A_172, %add3A_174, %scan3A_126 : i32
        %ne3A_176 = arith.cmpi ne, %add3A_135, %add3A_153 : i32
        %or3A_177 = arith.constant false
        %or3A_178 = arith.ori %or3A_177, %ne3A_176 : i1
        %or3A_179 = arith.constant false
        %or3A_180 = arith.ori %or3A_178, %or3A_179 : i1
        %ge3A_181 = arith.constant 10 : i32
        %ge3A_182 = arith.cmpi sge, %scan3A_125, %ge3A_181 : i32
        %not3A_183 = arith.constant true
        %not3A_184 = arith.xori %ge3A_182, %not3A_183 : i1
        %and3A_185 = arith.andi %or3A_180, %not3A_184 : i1
        %ne3A_186 = arith.cmpi ne, %add3A_135, %add3A_144 : i32
        %or3A_187 = arith.constant false
        %or3A_188 = arith.ori %or3A_187, %ne3A_186 : i1
        %or3A_189 = arith.constant false
        %or3A_190 = arith.ori %or3A_188, %or3A_189 : i1
        %or3A_191 = arith.constant false
        %or3A_192 = arith.ori %or3A_190, %or3A_191 : i1
        %or3A_193 = arith.ori %or3A_192, %eq3A_132 : i1
        %convert_element_type3A_194 = arith.extui %or3A_193 : i1 to i32
        %cond3A_195 = arith.constant 0 : i32
        %cond3A_196 = arith.cmpi ne, %convert_element_type3A_194, %cond3A_195 : i32
        scf.if %cond3A_196 {
          "tpu.trace_start"() <{level = 10 : i32, message = "ep_wait_in"}> : () -> ()
          %mul3A_289 = arith.constant 1 : i32
          %mul3A_290 = arith.muli %mul3A_289, %add3A_135 : i32
          %rem3A_291 = arith.constant 2 : i32
          %rem3A_292 = arith.remui %scan3A_127, %rem3A_291 : i32
          %dma_wait3A_293 = arith.constant 0 : i32
          %dma_wait3A_294 = arith.constant 0 : i32
          %dma_wait3A_295 = arith.constant 0 : i32
          %dma_wait3A_296 = tpu.memref_slice %run_scoped3A[%rem3A_292, %dma_wait3A_293, %dma_wait3A_294, %dma_wait3A_295] : memref<2x1x1x128xi32, #tpu.memory_space<vmem>> -> memref<1x1x1x128xi32, #tpu.memory_space<vmem>>
          %dma_wait3A_297 = tpu.memref_squeeze %dma_wait3A_296 : memref<1x1x1x128xi32, #tpu.memory_space<vmem>> -> memref<1x1x128xi32, #tpu.memory_space<vmem>>
          %dma_wait3A_298 = arith.constant 0 : i32
          %dma_wait3A_299 = arith.constant 0 : i32
          %dma_wait3A_300 = tpu.memref_slice %arg3[%mul3A_290, %dma_wait3A_298, %dma_wait3A_299] : memref<352x1x128xi32, #tpu.memory_space<hbm>> -> memref<1x1x128xi32, #tpu.memory_space<hbm>>
          %dma_wait3A_301 = tpu.memref_slice %run_scoped3A_7[%rem3A_292] : memref<2x!tpu.dma_semaphore, #tpu.memory_space<semaphore_mem>> -> memref<1x!tpu.dma_semaphore, #tpu.memory_space<semaphore_mem>>
          %dma_wait3A_302 = tpu.memref_squeeze %dma_wait3A_301 : memref<1x!tpu.dma_semaphore, #tpu.memory_space<semaphore_mem>> -> memref<!tpu.dma_semaphore, #tpu.memory_space<semaphore_mem>>
          %dma_wait3A_303 = arith.constant 0 : i32
          %dma_wait3A_304 = arith.constant 0 : i32
          %dma_wait3A_305 = arith.constant 0 : i32
          %dma_wait3A_306 = tpu.memref_slice %run_scoped3A[%rem3A_292, %dma_wait3A_303, %dma_wait3A_304, %dma_wait3A_305] : memref<2x1x1x128xi32, #tpu.memory_space<vmem>> -> memref<1x1x1x128xi32, #tpu.memory_space<vmem>>
          %dma_wait3A_307 = tpu.memref_squeeze %dma_wait3A_306 : memref<1x1x1x128xi32, #tpu.memory_space<vmem>> -> memref<1x1x128xi32, #tpu.memory_space<vmem>>
          %dma_wait3A_308 = arith.constant 0 : i32
          %dma_wait3A_309 = arith.constant 0 : i32
          %dma_wait3A_310 = tpu.memref_slice %arg3[%mul3A_290, %dma_wait3A_308, %dma_wait3A_309] : memref<352x1x128xi32, #tpu.memory_space<hbm>> -> memref<1x1x128xi32, #tpu.memory_space<hbm>>
          tpu.wait_dma2 semaphore(%dma_wait3A_302 : memref<!tpu.dma_semaphore, #tpu.memory_space<semaphore_mem>>) src(%dma_wait3A_310 : memref<1x1x128xi32, #tpu.memory_space<hbm>>) dst(%dma_wait3A_307 : memref<1x1x128xi32, #tpu.memory_space<vmem>>)
          "tpu.trace_stop"() : () -> ()
        } else {
        }
        %ne3A_197 = arith.cmpi ne, %add3A_135, %add3A_144 : i32
        %or3A_198 = arith.constant false
        %or3A_199 = arith.ori %or3A_198, %ne3A_197 : i1
        %or3A_200 = arith.constant false
        %or3A_201 = arith.ori %or3A_199, %or3A_200 : i1
        %or3A_202 = arith.ori %or3A_201, %eq3A_132 : i1
        %convert_element_type3A_203 = arith.extui %or3A_202 : i1 to i32
        %cond3A_204 = arith.constant 0 : i32
        %cond3A_205 = arith.cmpi ne, %convert_element_type3A_203, %cond3A_204 : i32
        scf.if %cond3A_205 {
        } else {
        }
        %rem3A_206 = arith.constant 2 : i32
        %rem3A_207 = arith.remui %scan3A_127, %rem3A_206 : i32
        %rem3A_208 = arith.constant 2 : i32
        %rem3A_209 = arith.remui %scan3A_128, %rem3A_208 : i32
        %run_scoped3A_210 = arith.constant 0 : i32
        %run_scoped3A_211 = arith.constant 0 : i32
        "tpu.trace_start"() <{level = 10 : i32, message = "ep_run_kernel"}> : () -> ()
        "tpu.region"() ({
          %run_scoped3A_289 = tpu.sem_alloc : memref<!tpu.dma_semaphore, #tpu.memory_space<semaphore_mem>>
          %dma_start3A_290 = arith.constant 0 : i32
          %dma_start3A_291 = arith.constant 0 : i32
          %dma_start3A_292 = tpu.memref_slice %run_scoped3A_8[%rem3A_209, %dma_start3A_290, %dma_start3A_291] : memref<2x128x256xf32, #tpu.memory_space<vmem>> -> memref<1x128x256xf32, #tpu.memory_space<vmem>>
          %dma_start3A_293 = tpu.memref_squeeze %dma_start3A_292 : memref<1x128x256xf32, #tpu.memory_space<vmem>> -> memref<128x256xf32, #tpu.memory_space<vmem>>
          %dma_start3A_294 = arith.constant 0 : i32
          %dma_start3A_295 = arith.constant 0 : i32
          %dma_start3A_296 = arith.constant 0 : i32
          %dma_start3A_297 = tpu.memref_slice %run_scoped3A[%rem3A_207, %dma_start3A_294, %dma_start3A_295, %dma_start3A_296] : memref<2x1x1x128xi32, #tpu.memory_space<vmem>> -> memref<1x1x1x128xi32, #tpu.memory_space<vmem>>
          %dma_start3A_298 = tpu.memref_squeeze %dma_start3A_297 : memref<1x1x1x128xi32, #tpu.memory_space<vmem>> -> memref<1x1x128xi32, #tpu.memory_space<vmem>>
          %dma_start3A_299 = arith.constant 0 : i32
          %dma_start3A_300 = tpu.memref_slice %dma_start3A_298[%run_scoped3A_210, %run_scoped3A_211, %dma_start3A_299] : memref<1x1x128xi32, #tpu.memory_space<vmem>> -> memref<1x1x128xi32, #tpu.memory_space<vmem>>
          %dma_start3A_301 = tpu.memref_squeeze %dma_start3A_300 : memref<1x1x128xi32, #tpu.memory_space<vmem>> -> memref<128xi32, #tpu.memory_space<vmem>>
          %dma_start3A_302 = arith.constant 0 : i32
          %dma_start3A_303 = arith.constant 0 : i32
          %dma_start3A_304 = tpu.memref_slice %arg2[%dma_start3A_302, %dma_start3A_303] : memref<45056x256xf32, #tpu.memory_space<hbm>> -> memref<45056x256xf32, #tpu.memory_space<hbm>>
          tpu.enqueue_indirect_dma source(%dma_start3A_304 : memref<45056x256xf32, #tpu.memory_space<hbm>>) target(%dma_start3A_293 : memref<128x256xf32, #tpu.memory_space<vmem>>) offsets(%dma_start3A_301 : memref<128xi32, #tpu.memory_space<vmem>>) semaphore(%run_scoped3A_289 : memref<!tpu.dma_semaphore, #tpu.memory_space<semaphore_mem>>)
          %dma_wait3A_305 = arith.constant 0 : i32
          %dma_wait3A_306 = arith.constant 0 : i32
          %dma_wait3A_307 = tpu.memref_slice %run_scoped3A_8[%rem3A_209, %dma_wait3A_305, %dma_wait3A_306] : memref<2x128x256xf32, #tpu.memory_space<vmem>> -> memref<1x128x256xf32, #tpu.memory_space<vmem>>
          %dma_wait3A_308 = tpu.memref_squeeze %dma_wait3A_307 : memref<1x128x256xf32, #tpu.memory_space<vmem>> -> memref<128x256xf32, #tpu.memory_space<vmem>>
          %dma_wait3A_309 = arith.constant 0 : i32
          %dma_wait3A_310 = arith.constant 0 : i32
          %dma_wait3A_311 = arith.constant 0 : i32
          %dma_wait3A_312 = tpu.memref_slice %run_scoped3A[%rem3A_207, %dma_wait3A_309, %dma_wait3A_310, %dma_wait3A_311] : memref<2x1x1x128xi32, #tpu.memory_space<vmem>> -> memref<1x1x1x128xi32, #tpu.memory_space<vmem>>
          %dma_wait3A_313 = tpu.memref_squeeze %dma_wait3A_312 : memref<1x1x1x128xi32, #tpu.memory_space<vmem>> -> memref<1x1x128xi32, #tpu.memory_space<vmem>>
          %dma_wait3A_314 = arith.constant 0 : i32
          %dma_wait3A_315 = tpu.memref_slice %dma_wait3A_313[%run_scoped3A_210, %run_scoped3A_211, %dma_wait3A_314] : memref<1x1x128xi32, #tpu.memory_space<vmem>> -> memref<1x1x128xi32, #tpu.memory_space<vmem>>
          %dma_wait3A_316 = tpu.memref_squeeze %dma_wait3A_315 : memref<1x1x128xi32, #tpu.memory_space<vmem>> -> memref<128xi32, #tpu.memory_space<vmem>>
          %dma_wait3A_317 = arith.constant 0 : i32
          %dma_wait3A_318 = arith.constant 0 : i32
          %dma_wait3A_319 = tpu.memref_slice %arg2[%dma_wait3A_317, %dma_wait3A_318] : memref<45056x256xf32, #tpu.memory_space<hbm>> -> memref<45056x256xf32, #tpu.memory_space<hbm>>
          tpu.wait_indirect_dma semaphore(%run_scoped3A_289 : memref<!tpu.dma_semaphore, #tpu.memory_space<semaphore_mem>>) src(%dma_wait3A_319 : memref<45056x256xf32, #tpu.memory_space<hbm>>) dst(%dma_wait3A_308 : memref<128x256xf32, #tpu.memory_space<vmem>>)
          tpu.yield
        }) : () -> ()
        "tpu.trace_stop"() : () -> ()
        %ne3A_212 = arith.cmpi ne, %add3A_135, %add3A_153 : i32
        %or3A_213 = arith.constant false
        %or3A_214 = arith.ori %or3A_213, %ne3A_212 : i1
        %or3A_215 = arith.constant false
        %or3A_216 = arith.ori %or3A_214, %or3A_215 : i1
        %or3A_217 = arith.constant false
        %or3A_218 = arith.ori %or3A_216, %or3A_217 : i1
        %or3A_219 = arith.ori %or3A_218, %eq3A_134 : i1
        %convert_element_type3A_220 = arith.extui %or3A_219 : i1 to i32
        %cond3A_221 = arith.constant 0 : i32
        %cond3A_222 = arith.cmpi ne, %convert_element_type3A_220, %cond3A_221 : i32
        scf.if %cond3A_222 {
        } else {
        }
        %and3A_223 = arith.constant false
        %and3A_224 = arith.andi %or3A_219, %and3A_223 : i1
        %ne3A_225 = arith.cmpi ne, %add3A_135, %add3A_153 : i32
        %or3A_226 = arith.constant false
        %or3A_227 = arith.ori %or3A_226, %ne3A_225 : i1
        %or3A_228 = arith.constant false
        %or3A_229 = arith.ori %or3A_227, %or3A_228 : i1
        %or3A_230 = arith.ori %or3A_229, %eq3A_134 : i1
        %convert_element_type3A_231 = arith.extui %or3A_230 : i1 to i32
        %cond3A_232 = arith.constant 0 : i32
        %cond3A_233 = arith.cmpi ne, %convert_element_type3A_231, %cond3A_232 : i32
        scf.if %cond3A_233 {
          "tpu.trace_start"() <{level = 10 : i32, message = "ep_copy_out"}> : () -> ()
          %rem3A_289 = arith.constant 2 : i32
          %rem3A_290 = arith.remui %scan3A_128, %rem3A_289 : i32
          %mul3A_291 = arith.constant 128 : i32
          %mul3A_292 = arith.muli %mul3A_291, %add3A_135 : i32
          %dma_start3A_293 = arith.constant 0 : i32
          %dma_start3A_294 = arith.constant 0 : i32
          %dma_start3A_295 = tpu.memref_slice %run_scoped3A_8[%rem3A_290, %dma_start3A_293, %dma_start3A_294] : memref<2x128x256xf32, #tpu.memory_space<vmem>> -> memref<1x128x256xf32, #tpu.memory_space<vmem>>
          %dma_start3A_296 = tpu.memref_squeeze %dma_start3A_295 : memref<1x128x256xf32, #tpu.memory_space<vmem>> -> memref<128x256xf32, #tpu.memory_space<vmem>>
          %dma_start3A_297 = arith.constant 0 : i32
          %dma_start3A_298 = tpu.memref_slice %arg4[%mul3A_292, %dma_start3A_297] : memref<45056x256xf32, #tpu.memory_space<hbm>> -> memref<128x256xf32, #tpu.memory_space<hbm>>
          %dma_start3A_299 = tpu.memref_slice %run_scoped3A_9[%rem3A_290] : memref<2x!tpu.dma_semaphore, #tpu.memory_space<semaphore_mem>> -> memref<1x!tpu.dma_semaphore, #tpu.memory_space<semaphore_mem>>
          %dma_start3A_300 = tpu.memref_squeeze %dma_start3A_299 : memref<1x!tpu.dma_semaphore, #tpu.memory_space<semaphore_mem>> -> memref<!tpu.dma_semaphore, #tpu.memory_space<semaphore_mem>>
          %dma_start3A_301 = arith.constant 0 : i32
          %dma_start3A_302 = tpu.memref_slice %arg4[%mul3A_292, %dma_start3A_301] : memref<45056x256xf32, #tpu.memory_space<hbm>> -> memref<128x256xf32, #tpu.memory_space<hbm>>
          %dma_start3A_303 = arith.constant 0 : i32
          %dma_start3A_304 = arith.constant 0 : i32
          %dma_start3A_305 = tpu.memref_slice %run_scoped3A_8[%rem3A_290, %dma_start3A_303, %dma_start3A_304] : memref<2x128x256xf32, #tpu.memory_space<vmem>> -> memref<1x128x256xf32, #tpu.memory_space<vmem>>
          %dma_start3A_306 = tpu.memref_squeeze %dma_start3A_305 : memref<1x128x256xf32, #tpu.memory_space<vmem>> -> memref<128x256xf32, #tpu.memory_space<vmem>>
          tpu.enqueue_dma source(%dma_start3A_306 : memref<128x256xf32, #tpu.memory_space<vmem>>) target(%dma_start3A_302 : memref<128x256xf32, #tpu.memory_space<hbm>>) target_semaphore(%dma_start3A_300 : memref<!tpu.dma_semaphore, #tpu.memory_space<semaphore_mem>>)
          "tpu.trace_stop"() : () -> ()
        } else {
        }
        %and3A_234 = arith.constant true
        %and3A_235 = arith.andi %or3A_230, %and3A_234 : i1
        %add3A_236 = arith.constant 1 : i32
        %add3A_237 = arith.addi %scan3A_128, %add3A_236 : i32
        %select_n3A_238 = arith.select %and3A_235, %add3A_237, %scan3A_128 : i32
        %ne3A_239 = arith.cmpi ne, %add3A_135, %add3A_144 : i32
        %or3A_240 = arith.constant false
        %or3A_241 = arith.ori %or3A_240, %ne3A_239 : i1
        %or3A_242 = arith.constant false
        %or3A_243 = arith.ori %or3A_241, %or3A_242 : i1
        %or3A_244 = arith.constant false
        %or3A_245 = arith.ori %or3A_243, %or3A_244 : i1
        %not3A_246 = arith.constant true
        %not3A_247 = arith.xori %eq3A_132, %not3A_246 : i1
        %and3A_248 = arith.andi %or3A_245, %not3A_247 : i1
        %convert_element_type3A_249 = arith.extui %and3A_248 : i1 to i32
        %cond3A_250 = arith.constant 0 : i32
        %cond3A_251 = arith.cmpi ne, %convert_element_type3A_249, %cond3A_250 : i32
        scf.if %cond3A_251 {
        } else {
        }
        %and3A_252 = arith.constant false
        %and3A_253 = arith.andi %and3A_248, %and3A_252 : i1
        %ne3A_254 = arith.cmpi ne, %add3A_135, %add3A_144 : i32
        %or3A_255 = arith.constant false
        %or3A_256 = arith.ori %or3A_255, %ne3A_254 : i1
        %or3A_257 = arith.constant false
        %or3A_258 = arith.ori %or3A_256, %or3A_257 : i1
        %not3A_259 = arith.constant true
        %not3A_260 = arith.xori %eq3A_132, %not3A_259 : i1
        %and3A_261 = arith.andi %or3A_258, %not3A_260 : i1
        %convert_element_type3A_262 = arith.extui %and3A_261 : i1 to i32
        %cond3A_263 = arith.constant 0 : i32
        %cond3A_264 = arith.cmpi ne, %convert_element_type3A_262, %cond3A_263 : i32
        scf.if %cond3A_264 {
          "tpu.trace_start"() <{level = 10 : i32, message = "ep_wait_out"}> : () -> ()
          %rem3A_289 = arith.constant 2 : i32
          %rem3A_290 = arith.remui %scan3A_129, %rem3A_289 : i32
          %mul3A_291 = arith.constant 128 : i32
          %mul3A_292 = arith.muli %mul3A_291, %add3A_144 : i32
          %dma_wait3A_293 = arith.constant 0 : i32
          %dma_wait3A_294 = arith.constant 0 : i32
          %dma_wait3A_295 = tpu.memref_slice %run_scoped3A_8[%rem3A_290, %dma_wait3A_293, %dma_wait3A_294] : memref<2x128x256xf32, #tpu.memory_space<vmem>> -> memref<1x128x256xf32, #tpu.memory_space<vmem>>
          %dma_wait3A_296 = tpu.memref_squeeze %dma_wait3A_295 : memref<1x128x256xf32, #tpu.memory_space<vmem>> -> memref<128x256xf32, #tpu.memory_space<vmem>>
          %dma_wait3A_297 = arith.constant 0 : i32
          %dma_wait3A_298 = tpu.memref_slice %arg4[%mul3A_292, %dma_wait3A_297] : memref<45056x256xf32, #tpu.memory_space<hbm>> -> memref<128x256xf32, #tpu.memory_space<hbm>>
          %dma_wait3A_299 = tpu.memref_slice %run_scoped3A_9[%rem3A_290] : memref<2x!tpu.dma_semaphore, #tpu.memory_space<semaphore_mem>> -> memref<1x!tpu.dma_semaphore, #tpu.memory_space<semaphore_mem>>
          %dma_wait3A_300 = tpu.memref_squeeze %dma_wait3A_299 : memref<1x!tpu.dma_semaphore, #tpu.memory_space<semaphore_mem>> -> memref<!tpu.dma_semaphore, #tpu.memory_space<semaphore_mem>>
          %dma_wait3A_301 = arith.constant 0 : i32
          %dma_wait3A_302 = tpu.memref_slice %arg4[%mul3A_292, %dma_wait3A_301] : memref<45056x256xf32, #tpu.memory_space<hbm>> -> memref<128x256xf32, #tpu.memory_space<hbm>>
          %dma_wait3A_303 = arith.constant 0 : i32
          %dma_wait3A_304 = arith.constant 0 : i32
          %dma_wait3A_305 = tpu.memref_slice %run_scoped3A_8[%rem3A_290, %dma_wait3A_303, %dma_wait3A_304] : memref<2x128x256xf32, #tpu.memory_space<vmem>> -> memref<1x128x256xf32, #tpu.memory_space<vmem>>
          %dma_wait3A_306 = tpu.memref_squeeze %dma_wait3A_305 : memref<1x128x256xf32, #tpu.memory_space<vmem>> -> memref<128x256xf32, #tpu.memory_space<vmem>>
          tpu.wait_dma2 semaphore(%dma_wait3A_300 : memref<!tpu.dma_semaphore, #tpu.memory_space<semaphore_mem>>) src(%dma_wait3A_306 : memref<128x256xf32, #tpu.memory_space<vmem>>) dst(%dma_wait3A_302 : memref<128x256xf32, #tpu.memory_space<hbm>>)
          "tpu.trace_stop"() : () -> ()
        } else {
        }
        %and3A_265 = arith.constant true
        %and3A_266 = arith.andi %and3A_261, %and3A_265 : i1
        %add3A_267 = arith.constant 1 : i32
        %add3A_268 = arith.addi %scan3A_129, %add3A_267 : i32
        %select_n3A_269 = arith.select %and3A_266, %add3A_268, %scan3A_129 : i32
        %ne3A_270 = arith.cmpi ne, %add3A_135, %add3A_153 : i32
        %or3A_271 = arith.constant false
        %or3A_272 = arith.ori %or3A_271, %ne3A_270 : i1
        %or3A_273 = arith.constant false
        %or3A_274 = arith.ori %or3A_272, %or3A_273 : i1
        %or3A_275 = arith.constant false
        %or3A_276 = arith.ori %or3A_274, %or3A_275 : i1
        %or3A_277 = arith.ori %or3A_276, %eq3A_134 : i1
        %add3A_278 = arith.constant 1 : i32
        %add3A_279 = arith.addi %scan3A_127, %add3A_278 : i32
        %select_n3A_280 = arith.select %or3A_277, %add3A_279, %scan3A_127 : i32
        %add3A_281 = arith.constant 1 : i32
        %add3A_282 = arith.addi %scan3A_130, %add3A_281 : i32
        %select_n3A_283 = arith.constant true
        %select_n3A_284 = arith.select %select_n3A_283, %add3A_282, %scan3A_130 : i32
        %eq3A_285 = arith.constant 11 : i32
        %eq3A_286 = arith.cmpi eq, %select_n3A_284, %eq3A_285 : i32
        %select_n3A_287 = arith.constant 0 : i32
        %select_n3A_288 = arith.select %eq3A_286, %select_n3A_287, %select_n3A_284 : i32
        scf.yield %select_n3A_175, %select_n3A_280, %select_n3A_238, %select_n3A_269, %select_n3A_288 : i32, i32, i32, i32, i32
      }
      %scan3A_72 = arith.constant 11 : i32
      %sub3A = arith.constant 1 : i32
      %sub3A_73 = arith.subi %scan3A_71#4, %sub3A : i32
      %select_n3A_74 = arith.constant true
      %select_n3A_75 = arith.select %select_n3A_74, %sub3A_73, %scan3A_71#4 : i32
      %eq3A_76 = arith.constant -1 : i32
      %eq3A_77 = arith.cmpi eq, %select_n3A_75, %eq3A_76 : i32
      %select_n3A_78 = arith.constant 10 : i32
      %select_n3A_79 = arith.select %eq3A_77, %select_n3A_78, %select_n3A_75 : i32
      %add3A_80 = arith.addi %select_n3A_79, %mul3A_6 : i32
      %sub3A_81 = arith.constant 1 : i32
      %sub3A_82 = arith.subi %select_n3A_79, %sub3A_81 : i32
      %select_n3A_83 = arith.constant true
      %select_n3A_84 = arith.select %select_n3A_83, %sub3A_82, %select_n3A_79 : i32
      %eq3A_85 = arith.constant -1 : i32
      %eq3A_86 = arith.cmpi eq, %select_n3A_84, %eq3A_85 : i32
      %select_n3A_87 = arith.constant 10 : i32
      %select_n3A_88 = arith.select %eq3A_86, %select_n3A_87, %select_n3A_84 : i32
      %add3A_89 = arith.addi %select_n3A_88, %mul3A_6 : i32
      %add3A_90 = arith.constant 1 : i32
      %add3A_91 = arith.addi %select_n3A_79, %add3A_90 : i32
      %select_n3A_92 = arith.constant true
      %select_n3A_93 = arith.select %select_n3A_92, %add3A_91, %select_n3A_79 : i32
      %eq3A_94 = arith.constant 11 : i32
      %eq3A_95 = arith.cmpi eq, %select_n3A_93, %eq3A_94 : i32
      %select_n3A_96 = arith.constant 0 : i32
      %select_n3A_97 = arith.select %eq3A_95, %select_n3A_96, %select_n3A_93 : i32
      %add3A_98 = arith.addi %select_n3A_97, %mul3A_6 : i32
      %add3A_99 = arith.constant 1 : i32
      %add3A_100 = arith.addi %select_n3A_97, %add3A_99 : i32
      %select_n3A_101 = arith.constant true
      %select_n3A_102 = arith.select %select_n3A_101, %add3A_100, %select_n3A_97 : i32
      %eq3A_103 = arith.constant 11 : i32
      %eq3A_104 = arith.cmpi eq, %select_n3A_102, %eq3A_103 : i32
      %select_n3A_105 = arith.constant 0 : i32
      %select_n3A_106 = arith.select %eq3A_104, %select_n3A_105, %select_n3A_102 : i32
      %add3A_107 = arith.addi %select_n3A_106, %mul3A_6 : i32
      "tpu.trace_start"() <{level = 10 : i32, message = "ep_finalize"}> : () -> ()
      %rem3A_108 = arith.constant 2 : i32
      %rem3A_109 = arith.remui %scan3A_71#3, %rem3A_108 : i32
      %mul3A_110 = arith.constant 128 : i32
      %mul3A_111 = arith.muli %mul3A_110, %add3A_80 : i32
      %dma_wait3A = arith.constant 0 : i32
      %dma_wait3A_112 = arith.constant 0 : i32
      %dma_wait3A_113 = tpu.memref_slice %run_scoped3A_8[%rem3A_109, %dma_wait3A, %dma_wait3A_112] : memref<2x128x256xf32, #tpu.memory_space<vmem>> -> memref<1x128x256xf32, #tpu.memory_space<vmem>>
      %dma_wait3A_114 = tpu.memref_squeeze %dma_wait3A_113 : memref<1x128x256xf32, #tpu.memory_space<vmem>> -> memref<128x256xf32, #tpu.memory_space<vmem>>
      %dma_wait3A_115 = arith.constant 0 : i32
      %dma_wait3A_116 = tpu.memref_slice %arg4[%mul3A_111, %dma_wait3A_115] : memref<45056x256xf32, #tpu.memory_space<hbm>> -> memref<128x256xf32, #tpu.memory_space<hbm>>
      %dma_wait3A_117 = tpu.memref_slice %run_scoped3A_9[%rem3A_109] : memref<2x!tpu.dma_semaphore, #tpu.memory_space<semaphore_mem>> -> memref<1x!tpu.dma_semaphore, #tpu.memory_space<semaphore_mem>>
      %dma_wait3A_118 = tpu.memref_squeeze %dma_wait3A_117 : memref<1x!tpu.dma_semaphore, #tpu.memory_space<semaphore_mem>> -> memref<!tpu.dma_semaphore, #tpu.memory_space<semaphore_mem>>
      %dma_wait3A_119 = arith.constant 0 : i32
      %dma_wait3A_120 = tpu.memref_slice %arg4[%mul3A_111, %dma_wait3A_119] : memref<45056x256xf32, #tpu.memory_space<hbm>> -> memref<128x256xf32, #tpu.memory_space<hbm>>
      %dma_wait3A_121 = arith.constant 0 : i32
      %dma_wait3A_122 = arith.constant 0 : i32
      %dma_wait3A_123 = tpu.memref_slice %run_scoped3A_8[%rem3A_109, %dma_wait3A_121, %dma_wait3A_122] : memref<2x128x256xf32, #tpu.memory_space<vmem>> -> memref<1x128x256xf32, #tpu.memory_space<vmem>>
      %dma_wait3A_124 = tpu.memref_squeeze %dma_wait3A_123 : memref<1x128x256xf32, #tpu.memory_space<vmem>> -> memref<128x256xf32, #tpu.memory_space<vmem>>
      tpu.wait_dma2 semaphore(%dma_wait3A_118 : memref<!tpu.dma_semaphore, #tpu.memory_space<semaphore_mem>>) src(%dma_wait3A_124 : memref<128x256xf32, #tpu.memory_space<vmem>>) dst(%dma_wait3A_120 : memref<128x256xf32, #tpu.memory_space<hbm>>)
      "tpu.trace_stop"() : () -> ()
      tpu.yield
    }) : () -> ()
    return
  }
}

#map = affine_map<(d0, d1) -> (0, 0)>
#map1 = affine_map<(d0, d1) -> (0, 0, 0)>
module attributes {stable_mosaic.version = 14 : i64} {
  func.func @k(%arg0: i32, %arg1: i32, %arg2: memref<40960x256xf32, #tpu.memory_space<hbm>>, %arg3: memref<320x1x128xi32, #tpu.memory_space<hbm>>, %arg4: memref<40960x256xf32, #tpu.memory_space<hbm>>) attributes {dimension_semantics = [#tpu.dimension_semantics<core_parallel>, #tpu.dimension_semantics<subcore_parallel>], iteration_bounds = array<i64: 2, 16>, scalar_prefetch = 0 : i64, scratch_operands = 0 : i64, tpu.core_type = #tpu.core_type<sc_vector_subcore>, window_params = [{transform_indices = #map}, {transform_indices = #map1}, {transform_indices = #map}]} {
    %mul3A = arith.constant 1 : i32
    %mul3A_0 = arith.muli %arg1, %mul3A : i32
    %add3A = arith.constant 0 : i32
    %add3A_1 = arith.addi %add3A, %mul3A_0 : i32
    %mul3A_2 = arith.constant 16 : i32
    %mul3A_3 = arith.muli %arg0, %mul3A_2 : i32
    %add3A_4 = arith.addi %add3A_1, %mul3A_3 : i32
    %mul3A_5 = arith.constant 10 : i32
    %mul3A_6 = arith.muli %add3A_4, %mul3A_5 : i32
    "tpu.region"() ({
      %run_scoped3A = memref.alloca() : memref<2x1x1x128xi32, #tpu.memory_space<vmem>>
      %run_scoped3A_7 = tpu.sem_alloc : memref<2x!tpu.dma_semaphore, #tpu.memory_space<semaphore_mem>>
      %run_scoped3A_8 = memref.alloca() : memref<2x128x256xf32, #tpu.memory_space<vmem>>
      %run_scoped3A_9 = tpu.sem_alloc : memref<2x!tpu.dma_semaphore, #tpu.memory_space<semaphore_mem>>
      %add3A_10 = arith.constant 0 : i32
      %add3A_11 = arith.addi %add3A_10, %mul3A_6 : i32
      %select_n3A = arith.constant true
      %select_n3A_12 = arith.constant 0 : i32
      %select_n3A_13 = arith.constant -1 : i32
      %select_n3A_14 = arith.select %select_n3A, %select_n3A_13, %select_n3A_12 : i32
      %eq3A = arith.constant -1 : i32
      %eq3A_15 = arith.cmpi eq, %select_n3A_14, %eq3A : i32
      %select_n3A_16 = arith.constant 9 : i32
      %select_n3A_17 = arith.select %eq3A_15, %select_n3A_16, %select_n3A_14 : i32
      %add3A_18 = arith.addi %select_n3A_17, %mul3A_6 : i32
      %select_n3A_19 = arith.constant true
      %select_n3A_20 = arith.constant 0 : i32
      %select_n3A_21 = arith.constant 1 : i32
      %select_n3A_22 = arith.select %select_n3A_19, %select_n3A_21, %select_n3A_20 : i32
      %eq3A_23 = arith.constant 10 : i32
      %eq3A_24 = arith.cmpi eq, %select_n3A_22, %eq3A_23 : i32
      %select_n3A_25 = arith.constant 0 : i32
      %select_n3A_26 = arith.select %eq3A_24, %select_n3A_25, %select_n3A_22 : i32
      %add3A_27 = arith.addi %select_n3A_26, %mul3A_6 : i32
      %add3A_28 = arith.constant 1 : i32
      %add3A_29 = arith.addi %select_n3A_26, %add3A_28 : i32
      %select_n3A_30 = arith.constant true
      %select_n3A_31 = arith.select %select_n3A_30, %add3A_29, %select_n3A_26 : i32
      %eq3A_32 = arith.constant 10 : i32
      %eq3A_33 = arith.cmpi eq, %select_n3A_31, %eq3A_32 : i32
      %select_n3A_34 = arith.constant 0 : i32
      %select_n3A_35 = arith.select %eq3A_33, %select_n3A_34, %select_n3A_31 : i32
      %add3A_36 = arith.addi %select_n3A_35, %mul3A_6 : i32
      "tpu.trace_start"() <{level = 10 : i32, message = "ep_initialize_0"}> : () -> ()
      %rem3A = arith.constant 0 : i32
      %rem3A_37 = arith.constant 2 : i32
      %rem3A_38 = arith.remui %rem3A, %rem3A_37 : i32
      %mul3A_39 = arith.constant 1 : i32
      %mul3A_40 = arith.muli %mul3A_39, %add3A_11 : i32
      %dma_start3A = arith.constant 0 : i32
      %dma_start3A_41 = arith.constant 0 : i32
      %dma_start3A_42 = arith.constant 0 : i32
      %dma_start3A_43 = tpu.memref_slice %run_scoped3A[%rem3A_38, %dma_start3A, %dma_start3A_41, %dma_start3A_42] : memref<2x1x1x128xi32, #tpu.memory_space<vmem>> -> memref<1x1x1x128xi32, #tpu.memory_space<vmem>>
      %dma_start3A_44 = tpu.memref_squeeze %dma_start3A_43 : memref<1x1x1x128xi32, #tpu.memory_space<vmem>> -> memref<1x1x128xi32, #tpu.memory_space<vmem>>
      %dma_start3A_45 = arith.constant 0 : i32
      %dma_start3A_46 = arith.constant 0 : i32
      %dma_start3A_47 = tpu.memref_slice %arg3[%mul3A_40, %dma_start3A_45, %dma_start3A_46] : memref<320x1x128xi32, #tpu.memory_space<hbm>> -> memref<1x1x128xi32, #tpu.memory_space<hbm>>
      %dma_start3A_48 = tpu.memref_slice %run_scoped3A_7[%rem3A_38] : memref<2x!tpu.dma_semaphore, #tpu.memory_space<semaphore_mem>> -> memref<1x!tpu.dma_semaphore, #tpu.memory_space<semaphore_mem>>
      %dma_start3A_49 = tpu.memref_squeeze %dma_start3A_48 : memref<1x!tpu.dma_semaphore, #tpu.memory_space<semaphore_mem>> -> memref<!tpu.dma_semaphore, #tpu.memory_space<semaphore_mem>>
      %dma_start3A_50 = arith.constant 0 : i32
      %dma_start3A_51 = arith.constant 0 : i32
      %dma_start3A_52 = arith.constant 0 : i32
      %dma_start3A_53 = tpu.memref_slice %run_scoped3A[%rem3A_38, %dma_start3A_50, %dma_start3A_51, %dma_start3A_52] : memref<2x1x1x128xi32, #tpu.memory_space<vmem>> -> memref<1x1x1x128xi32, #tpu.memory_space<vmem>>
      %dma_start3A_54 = tpu.memref_squeeze %dma_start3A_53 : memref<1x1x1x128xi32, #tpu.memory_space<vmem>> -> memref<1x1x128xi32, #tpu.memory_space<vmem>>
      %dma_start3A_55 = arith.constant 0 : i32
      %dma_start3A_56 = arith.constant 0 : i32
      %dma_start3A_57 = tpu.memref_slice %arg3[%mul3A_40, %dma_start3A_55, %dma_start3A_56] : memref<320x1x128xi32, #tpu.memory_space<hbm>> -> memref<1x1x128xi32, #tpu.memory_space<hbm>>
      tpu.enqueue_dma source(%dma_start3A_57 : memref<1x1x128xi32, #tpu.memory_space<hbm>>) target(%dma_start3A_54 : memref<1x1x128xi32, #tpu.memory_space<vmem>>) target_semaphore(%dma_start3A_49 : memref<!tpu.dma_semaphore, #tpu.memory_space<semaphore_mem>>)
      %add3A_58 = arith.constant 0 : i32
      %add3A_59 = arith.constant 1 : i32
      %add3A_60 = arith.addi %add3A_58, %add3A_59 : i32
      %select_n3A_61 = arith.constant true
      %select_n3A_62 = arith.constant 0 : i32
      %select_n3A_63 = arith.select %select_n3A_61, %add3A_60, %select_n3A_62 : i32
      "tpu.trace_stop"() : () -> ()
      %scan3A = arith.constant 0 : i32
      %scan3A_64 = arith.constant 0 : i32
      %scan3A_65 = arith.constant 0 : i32
      %scan3A_66 = arith.constant 0 : i32
      %scan3A_67 = arith.constant 0 : i32
      %scan3A_68 = arith.constant 10 : i32
      %scan3A_69 = arith.addi %scan3A_67, %scan3A_68 : i32
      %scan3A_70 = arith.constant 1 : i32
      %scan3A_71:5 = scf.for %scan3A_125 = %scan3A_67 to %scan3A_69 step %scan3A_70 iter_args(%scan3A_126 = %select_n3A_63, %scan3A_127 = %scan3A, %scan3A_128 = %scan3A_64, %scan3A_129 = %scan3A_65, %scan3A_130 = %scan3A_66) -> (i32, i32, i32, i32, i32)  : i32 {
        %eq3A_131 = arith.constant 0 : i32
        %eq3A_132 = arith.cmpi eq, %scan3A_125, %eq3A_131 : i32
        %eq3A_133 = arith.constant 9 : i32
        %eq3A_134 = arith.cmpi eq, %scan3A_125, %eq3A_133 : i32
        %add3A_135 = arith.addi %scan3A_130, %mul3A_6 : i32
        %sub3A_136 = arith.constant 1 : i32
        %sub3A_137 = arith.subi %scan3A_130, %sub3A_136 : i32
        %select_n3A_138 = arith.constant true
        %select_n3A_139 = arith.select %select_n3A_138, %sub3A_137, %scan3A_130 : i32
        %eq3A_140 = arith.constant -1 : i32
        %eq3A_141 = arith.cmpi eq, %select_n3A_139, %eq3A_140 : i32
        %select_n3A_142 = arith.constant 9 : i32
        %select_n3A_143 = arith.select %eq3A_141, %select_n3A_142, %select_n3A_139 : i32
        %add3A_144 = arith.addi %select_n3A_143, %mul3A_6 : i32
        %add3A_145 = arith.constant 1 : i32
        %add3A_146 = arith.addi %scan3A_130, %add3A_145 : i32
        %select_n3A_147 = arith.constant true
        %select_n3A_148 = arith.select %select_n3A_147, %add3A_146, %scan3A_130 : i32
        %eq3A_149 = arith.constant 10 : i32
        %eq3A_150 = arith.cmpi eq, %select_n3A_148, %eq3A_149 : i32
        %select_n3A_151 = arith.constant 0 : i32
        %select_n3A_152 = arith.select %eq3A_150, %select_n3A_151, %select_n3A_148 : i32
        %add3A_153 = arith.addi %select_n3A_152, %mul3A_6 : i32
        %add3A_154 = arith.constant 1 : i32
        %add3A_155 = arith.addi %select_n3A_152, %add3A_154 : i32
        %select_n3A_156 = arith.constant true
        %select_n3A_157 = arith.select %select_n3A_156, %add3A_155, %select_n3A_152 : i32
        %eq3A_158 = arith.constant 10 : i32
        %eq3A_159 = arith.cmpi eq, %select_n3A_157, %eq3A_158 : i32
        %select_n3A_160 = arith.constant 0 : i32
        %select_n3A_161 = arith.select %eq3A_159, %select_n3A_160, %select_n3A_157 : i32
        %add3A_162 = arith.addi %select_n3A_161, %mul3A_6 : i32
        %ne3A = arith.cmpi ne, %add3A_135, %add3A_153 : i32
        %or3A = arith.constant false
        %or3A_163 = arith.ori %or3A, %ne3A : i1
        %or3A_164 = arith.constant false
        %or3A_165 = arith.ori %or3A_163, %or3A_164 : i1
        %or3A_166 = arith.constant false
        %or3A_167 = arith.ori %or3A_165, %or3A_166 : i1
        %ge3A = arith.constant 9 : i32
        %ge3A_168 = arith.cmpi sge, %scan3A_125, %ge3A : i32
        %not3A = arith.constant true
        %not3A_169 = arith.xori %ge3A_168, %not3A : i1
        %and3A = arith.andi %or3A_167, %not3A_169 : i1
        %convert_element_type3A = arith.extui %and3A : i1 to i32
        %cond3A = arith.constant 0 : i32
        %cond3A_170 = arith.cmpi ne, %convert_element_type3A, %cond3A : i32
        scf.if %cond3A_170 {
          "tpu.trace_start"() <{level = 10 : i32, message = "ep_copy_in"}> : () -> ()
          %rem3A_289 = arith.constant 2 : i32
          %rem3A_290 = arith.remui %scan3A_126, %rem3A_289 : i32
          %mul3A_291 = arith.constant 1 : i32
          %mul3A_292 = arith.muli %mul3A_291, %add3A_153 : i32
          %dma_start3A_293 = arith.constant 0 : i32
          %dma_start3A_294 = arith.constant 0 : i32
          %dma_start3A_295 = arith.constant 0 : i32
          %dma_start3A_296 = tpu.memref_slice %run_scoped3A[%rem3A_290, %dma_start3A_293, %dma_start3A_294, %dma_start3A_295] : memref<2x1x1x128xi32, #tpu.memory_space<vmem>> -> memref<1x1x1x128xi32, #tpu.memory_space<vmem>>
          %dma_start3A_297 = tpu.memref_squeeze %dma_start3A_296 : memref<1x1x1x128xi32, #tpu.memory_space<vmem>> -> memref<1x1x128xi32, #tpu.memory_space<vmem>>
          %dma_start3A_298 = arith.constant 0 : i32
          %dma_start3A_299 = arith.constant 0 : i32
          %dma_start3A_300 = tpu.memref_slice %arg3[%mul3A_292, %dma_start3A_298, %dma_start3A_299] : memref<320x1x128xi32, #tpu.memory_space<hbm>> -> memref<1x1x128xi32, #tpu.memory_space<hbm>>
          %dma_start3A_301 = tpu.memref_slice %run_scoped3A_7[%rem3A_290] : memref<2x!tpu.dma_semaphore, #tpu.memory_space<semaphore_mem>> -> memref<1x!tpu.dma_semaphore, #tpu.memory_space<semaphore_mem>>
          %dma_start3A_302 = tpu.memref_squeeze %dma_start3A_301 : memref<1x!tpu.dma_semaphore, #tpu.memory_space<semaphore_mem>> -> memref<!tpu.dma_semaphore, #tpu.memory_space<semaphore_mem>>
          %dma_start3A_303 = arith.constant 0 : i32
          %dma_start3A_304 = arith.constant 0 : i32
          %dma_start3A_305 = arith.constant 0 : i32
          %dma_start3A_306 = tpu.memref_slice %run_scoped3A[%rem3A_290, %dma_start3A_303, %dma_start3A_304, %dma_start3A_305] : memref<2x1x1x128xi32, #tpu.memory_space<vmem>> -> memref<1x1x1x128xi32, #tpu.memory_space<vmem>>
          %dma_start3A_307 = tpu.memref_squeeze %dma_start3A_306 : memref<1x1x1x128xi32, #tpu.memory_space<vmem>> -> memref<1x1x128xi32, #tpu.memory_space<vmem>>
          %dma_start3A_308 = arith.constant 0 : i32
          %dma_start3A_309 = arith.constant 0 : i32
          %dma_start3A_310 = tpu.memref_slice %arg3[%mul3A_292, %dma_start3A_308, %dma_start3A_309] : memref<320x1x128xi32, #tpu.memory_space<hbm>> -> memref<1x1x128xi32, #tpu.memory_space<hbm>>
          tpu.enqueue_dma source(%dma_start3A_310 : memref<1x1x128xi32, #tpu.memory_space<hbm>>) target(%dma_start3A_307 : memref<1x1x128xi32, #tpu.memory_space<vmem>>) target_semaphore(%dma_start3A_302 : memref<!tpu.dma_semaphore, #tpu.memory_space<semaphore_mem>>)
          "tpu.trace_stop"() : () -> ()
        } else {
        }
        %and3A_171 = arith.constant true
        %and3A_172 = arith.andi %and3A, %and3A_171 : i1
        %add3A_173 = arith.constant 1 : i32
        %add3A_174 = arith.addi %scan3A_126, %add3A_173 : i32
        %select_n3A_175 = arith.select %and3A_172, %add3A_174, %scan3A_126 : i32
        %ne3A_176 = arith.cmpi ne, %add3A_135, %add3A_153 : i32
        %or3A_177 = arith.constant false
        %or3A_178 = arith.ori %or3A_177, %ne3A_176 : i1
        %or3A_179 = arith.constant false
        %or3A_180 = arith.ori %or3A_178, %or3A_179 : i1
        %ge3A_181 = arith.constant 9 : i32
        %ge3A_182 = arith.cmpi sge, %scan3A_125, %ge3A_181 : i32
        %not3A_183 = arith.constant true
        %not3A_184 = arith.xori %ge3A_182, %not3A_183 : i1
        %and3A_185 = arith.andi %or3A_180, %not3A_184 : i1
        %ne3A_186 = arith.cmpi ne, %add3A_135, %add3A_144 : i32
        %or3A_187 = arith.constant false
        %or3A_188 = arith.ori %or3A_187, %ne3A_186 : i1
        %or3A_189 = arith.constant false
        %or3A_190 = arith.ori %or3A_188, %or3A_189 : i1
        %or3A_191 = arith.constant false
        %or3A_192 = arith.ori %or3A_190, %or3A_191 : i1
        %or3A_193 = arith.ori %or3A_192, %eq3A_132 : i1
        %convert_element_type3A_194 = arith.extui %or3A_193 : i1 to i32
        %cond3A_195 = arith.constant 0 : i32
        %cond3A_196 = arith.cmpi ne, %convert_element_type3A_194, %cond3A_195 : i32
        scf.if %cond3A_196 {
          "tpu.trace_start"() <{level = 10 : i32, message = "ep_wait_in"}> : () -> ()
          %mul3A_289 = arith.constant 1 : i32
          %mul3A_290 = arith.muli %mul3A_289, %add3A_135 : i32
          %rem3A_291 = arith.constant 2 : i32
          %rem3A_292 = arith.remui %scan3A_127, %rem3A_291 : i32
          %dma_wait3A_293 = arith.constant 0 : i32
          %dma_wait3A_294 = arith.constant 0 : i32
          %dma_wait3A_295 = arith.constant 0 : i32
          %dma_wait3A_296 = tpu.memref_slice %run_scoped3A[%rem3A_292, %dma_wait3A_293, %dma_wait3A_294, %dma_wait3A_295] : memref<2x1x1x128xi32, #tpu.memory_space<vmem>> -> memref<1x1x1x128xi32, #tpu.memory_space<vmem>>
          %dma_wait3A_297 = tpu.memref_squeeze %dma_wait3A_296 : memref<1x1x1x128xi32, #tpu.memory_space<vmem>> -> memref<1x1x128xi32, #tpu.memory_space<vmem>>
          %dma_wait3A_298 = arith.constant 0 : i32
          %dma_wait3A_299 = arith.constant 0 : i32
          %dma_wait3A_300 = tpu.memref_slice %arg3[%mul3A_290, %dma_wait3A_298, %dma_wait3A_299] : memref<320x1x128xi32, #tpu.memory_space<hbm>> -> memref<1x1x128xi32, #tpu.memory_space<hbm>>
          %dma_wait3A_301 = tpu.memref_slice %run_scoped3A_7[%rem3A_292] : memref<2x!tpu.dma_semaphore, #tpu.memory_space<semaphore_mem>> -> memref<1x!tpu.dma_semaphore, #tpu.memory_space<semaphore_mem>>
          %dma_wait3A_302 = tpu.memref_squeeze %dma_wait3A_301 : memref<1x!tpu.dma_semaphore, #tpu.memory_space<semaphore_mem>> -> memref<!tpu.dma_semaphore, #tpu.memory_space<semaphore_mem>>
          %dma_wait3A_303 = arith.constant 0 : i32
          %dma_wait3A_304 = arith.constant 0 : i32
          %dma_wait3A_305 = arith.constant 0 : i32
          %dma_wait3A_306 = tpu.memref_slice %run_scoped3A[%rem3A_292, %dma_wait3A_303, %dma_wait3A_304, %dma_wait3A_305] : memref<2x1x1x128xi32, #tpu.memory_space<vmem>> -> memref<1x1x1x128xi32, #tpu.memory_space<vmem>>
          %dma_wait3A_307 = tpu.memref_squeeze %dma_wait3A_306 : memref<1x1x1x128xi32, #tpu.memory_space<vmem>> -> memref<1x1x128xi32, #tpu.memory_space<vmem>>
          %dma_wait3A_308 = arith.constant 0 : i32
          %dma_wait3A_309 = arith.constant 0 : i32
          %dma_wait3A_310 = tpu.memref_slice %arg3[%mul3A_290, %dma_wait3A_308, %dma_wait3A_309] : memref<320x1x128xi32, #tpu.memory_space<hbm>> -> memref<1x1x128xi32, #tpu.memory_space<hbm>>
          tpu.wait_dma2 semaphore(%dma_wait3A_302 : memref<!tpu.dma_semaphore, #tpu.memory_space<semaphore_mem>>) src(%dma_wait3A_310 : memref<1x1x128xi32, #tpu.memory_space<hbm>>) dst(%dma_wait3A_307 : memref<1x1x128xi32, #tpu.memory_space<vmem>>)
          "tpu.trace_stop"() : () -> ()
        } else {
        }
        %ne3A_197 = arith.cmpi ne, %add3A_135, %add3A_144 : i32
        %or3A_198 = arith.constant false
        %or3A_199 = arith.ori %or3A_198, %ne3A_197 : i1
        %or3A_200 = arith.constant false
        %or3A_201 = arith.ori %or3A_199, %or3A_200 : i1
        %or3A_202 = arith.ori %or3A_201, %eq3A_132 : i1
        %convert_element_type3A_203 = arith.extui %or3A_202 : i1 to i32
        %cond3A_204 = arith.constant 0 : i32
        %cond3A_205 = arith.cmpi ne, %convert_element_type3A_203, %cond3A_204 : i32
        scf.if %cond3A_205 {
        } else {
        }
        %rem3A_206 = arith.constant 2 : i32
        %rem3A_207 = arith.remui %scan3A_127, %rem3A_206 : i32
        %rem3A_208 = arith.constant 2 : i32
        %rem3A_209 = arith.remui %scan3A_128, %rem3A_208 : i32
        %run_scoped3A_210 = arith.constant 0 : i32
        %run_scoped3A_211 = arith.constant 0 : i32
        "tpu.trace_start"() <{level = 10 : i32, message = "ep_run_kernel"}> : () -> ()
        "tpu.region"() ({
          %run_scoped3A_289 = tpu.sem_alloc : memref<!tpu.dma_semaphore, #tpu.memory_space<semaphore_mem>>
          %dma_start3A_290 = arith.constant 0 : i32
          %dma_start3A_291 = arith.constant 0 : i32
          %dma_start3A_292 = tpu.memref_slice %run_scoped3A_8[%rem3A_209, %dma_start3A_290, %dma_start3A_291] : memref<2x128x256xf32, #tpu.memory_space<vmem>> -> memref<1x128x256xf32, #tpu.memory_space<vmem>>
          %dma_start3A_293 = tpu.memref_squeeze %dma_start3A_292 : memref<1x128x256xf32, #tpu.memory_space<vmem>> -> memref<128x256xf32, #tpu.memory_space<vmem>>
          %dma_start3A_294 = arith.constant 0 : i32
          %dma_start3A_295 = arith.constant 0 : i32
          %dma_start3A_296 = arith.constant 0 : i32
          %dma_start3A_297 = tpu.memref_slice %run_scoped3A[%rem3A_207, %dma_start3A_294, %dma_start3A_295, %dma_start3A_296] : memref<2x1x1x128xi32, #tpu.memory_space<vmem>> -> memref<1x1x1x128xi32, #tpu.memory_space<vmem>>
          %dma_start3A_298 = tpu.memref_squeeze %dma_start3A_297 : memref<1x1x1x128xi32, #tpu.memory_space<vmem>> -> memref<1x1x128xi32, #tpu.memory_space<vmem>>
          %dma_start3A_299 = arith.constant 0 : i32
          %dma_start3A_300 = tpu.memref_slice %dma_start3A_298[%run_scoped3A_210, %run_scoped3A_211, %dma_start3A_299] : memref<1x1x128xi32, #tpu.memory_space<vmem>> -> memref<1x1x128xi32, #tpu.memory_space<vmem>>
          %dma_start3A_301 = tpu.memref_squeeze %dma_start3A_300 : memref<1x1x128xi32, #tpu.memory_space<vmem>> -> memref<128xi32, #tpu.memory_space<vmem>>
          %dma_start3A_302 = arith.constant 0 : i32
          %dma_start3A_303 = arith.constant 0 : i32
          %dma_start3A_304 = tpu.memref_slice %arg2[%dma_start3A_302, %dma_start3A_303] : memref<40960x256xf32, #tpu.memory_space<hbm>> -> memref<40960x256xf32, #tpu.memory_space<hbm>>
          tpu.enqueue_indirect_dma source(%dma_start3A_304 : memref<40960x256xf32, #tpu.memory_space<hbm>>) target(%dma_start3A_293 : memref<128x256xf32, #tpu.memory_space<vmem>>) offsets(%dma_start3A_301 : memref<128xi32, #tpu.memory_space<vmem>>) semaphore(%run_scoped3A_289 : memref<!tpu.dma_semaphore, #tpu.memory_space<semaphore_mem>>)
          %dma_wait3A_305 = arith.constant 0 : i32
          %dma_wait3A_306 = arith.constant 0 : i32
          %dma_wait3A_307 = tpu.memref_slice %run_scoped3A_8[%rem3A_209, %dma_wait3A_305, %dma_wait3A_306] : memref<2x128x256xf32, #tpu.memory_space<vmem>> -> memref<1x128x256xf32, #tpu.memory_space<vmem>>
          %dma_wait3A_308 = tpu.memref_squeeze %dma_wait3A_307 : memref<1x128x256xf32, #tpu.memory_space<vmem>> -> memref<128x256xf32, #tpu.memory_space<vmem>>
          %dma_wait3A_309 = arith.constant 0 : i32
          %dma_wait3A_310 = arith.constant 0 : i32
          %dma_wait3A_311 = arith.constant 0 : i32
          %dma_wait3A_312 = tpu.memref_slice %run_scoped3A[%rem3A_207, %dma_wait3A_309, %dma_wait3A_310, %dma_wait3A_311] : memref<2x1x1x128xi32, #tpu.memory_space<vmem>> -> memref<1x1x1x128xi32, #tpu.memory_space<vmem>>
          %dma_wait3A_313 = tpu.memref_squeeze %dma_wait3A_312 : memref<1x1x1x128xi32, #tpu.memory_space<vmem>> -> memref<1x1x128xi32, #tpu.memory_space<vmem>>
          %dma_wait3A_314 = arith.constant 0 : i32
          %dma_wait3A_315 = tpu.memref_slice %dma_wait3A_313[%run_scoped3A_210, %run_scoped3A_211, %dma_wait3A_314] : memref<1x1x128xi32, #tpu.memory_space<vmem>> -> memref<1x1x128xi32, #tpu.memory_space<vmem>>
          %dma_wait3A_316 = tpu.memref_squeeze %dma_wait3A_315 : memref<1x1x128xi32, #tpu.memory_space<vmem>> -> memref<128xi32, #tpu.memory_space<vmem>>
          %dma_wait3A_317 = arith.constant 0 : i32
          %dma_wait3A_318 = arith.constant 0 : i32
          %dma_wait3A_319 = tpu.memref_slice %arg2[%dma_wait3A_317, %dma_wait3A_318] : memref<40960x256xf32, #tpu.memory_space<hbm>> -> memref<40960x256xf32, #tpu.memory_space<hbm>>
          tpu.wait_indirect_dma semaphore(%run_scoped3A_289 : memref<!tpu.dma_semaphore, #tpu.memory_space<semaphore_mem>>) src(%dma_wait3A_319 : memref<40960x256xf32, #tpu.memory_space<hbm>>) dst(%dma_wait3A_308 : memref<128x256xf32, #tpu.memory_space<vmem>>)
          tpu.yield
        }) : () -> ()
        "tpu.trace_stop"() : () -> ()
        %ne3A_212 = arith.cmpi ne, %add3A_135, %add3A_153 : i32
        %or3A_213 = arith.constant false
        %or3A_214 = arith.ori %or3A_213, %ne3A_212 : i1
        %or3A_215 = arith.constant false
        %or3A_216 = arith.ori %or3A_214, %or3A_215 : i1
        %or3A_217 = arith.constant false
        %or3A_218 = arith.ori %or3A_216, %or3A_217 : i1
        %or3A_219 = arith.ori %or3A_218, %eq3A_134 : i1
        %convert_element_type3A_220 = arith.extui %or3A_219 : i1 to i32
        %cond3A_221 = arith.constant 0 : i32
        %cond3A_222 = arith.cmpi ne, %convert_element_type3A_220, %cond3A_221 : i32
        scf.if %cond3A_222 {
        } else {
        }
        %and3A_223 = arith.constant false
        %and3A_224 = arith.andi %or3A_219, %and3A_223 : i1
        %ne3A_225 = arith.cmpi ne, %add3A_135, %add3A_153 : i32
        %or3A_226 = arith.constant false
        %or3A_227 = arith.ori %or3A_226, %ne3A_225 : i1
        %or3A_228 = arith.constant false
        %or3A_229 = arith.ori %or3A_227, %or3A_228 : i1
        %or3A_230 = arith.ori %or3A_229, %eq3A_134 : i1
        %convert_element_type3A_231 = arith.extui %or3A_230 : i1 to i32
        %cond3A_232 = arith.constant 0 : i32
        %cond3A_233 = arith.cmpi ne, %convert_element_type3A_231, %cond3A_232 : i32
        scf.if %cond3A_233 {
          "tpu.trace_start"() <{level = 10 : i32, message = "ep_copy_out"}> : () -> ()
          %rem3A_289 = arith.constant 2 : i32
          %rem3A_290 = arith.remui %scan3A_128, %rem3A_289 : i32
          %mul3A_291 = arith.constant 128 : i32
          %mul3A_292 = arith.muli %mul3A_291, %add3A_135 : i32
          %dma_start3A_293 = arith.constant 0 : i32
          %dma_start3A_294 = arith.constant 0 : i32
          %dma_start3A_295 = tpu.memref_slice %run_scoped3A_8[%rem3A_290, %dma_start3A_293, %dma_start3A_294] : memref<2x128x256xf32, #tpu.memory_space<vmem>> -> memref<1x128x256xf32, #tpu.memory_space<vmem>>
          %dma_start3A_296 = tpu.memref_squeeze %dma_start3A_295 : memref<1x128x256xf32, #tpu.memory_space<vmem>> -> memref<128x256xf32, #tpu.memory_space<vmem>>
          %dma_start3A_297 = arith.constant 0 : i32
          %dma_start3A_298 = tpu.memref_slice %arg4[%mul3A_292, %dma_start3A_297] : memref<40960x256xf32, #tpu.memory_space<hbm>> -> memref<128x256xf32, #tpu.memory_space<hbm>>
          %dma_start3A_299 = tpu.memref_slice %run_scoped3A_9[%rem3A_290] : memref<2x!tpu.dma_semaphore, #tpu.memory_space<semaphore_mem>> -> memref<1x!tpu.dma_semaphore, #tpu.memory_space<semaphore_mem>>
          %dma_start3A_300 = tpu.memref_squeeze %dma_start3A_299 : memref<1x!tpu.dma_semaphore, #tpu.memory_space<semaphore_mem>> -> memref<!tpu.dma_semaphore, #tpu.memory_space<semaphore_mem>>
          %dma_start3A_301 = arith.constant 0 : i32
          %dma_start3A_302 = tpu.memref_slice %arg4[%mul3A_292, %dma_start3A_301] : memref<40960x256xf32, #tpu.memory_space<hbm>> -> memref<128x256xf32, #tpu.memory_space<hbm>>
          %dma_start3A_303 = arith.constant 0 : i32
          %dma_start3A_304 = arith.constant 0 : i32
          %dma_start3A_305 = tpu.memref_slice %run_scoped3A_8[%rem3A_290, %dma_start3A_303, %dma_start3A_304] : memref<2x128x256xf32, #tpu.memory_space<vmem>> -> memref<1x128x256xf32, #tpu.memory_space<vmem>>
          %dma_start3A_306 = tpu.memref_squeeze %dma_start3A_305 : memref<1x128x256xf32, #tpu.memory_space<vmem>> -> memref<128x256xf32, #tpu.memory_space<vmem>>
          tpu.enqueue_dma source(%dma_start3A_306 : memref<128x256xf32, #tpu.memory_space<vmem>>) target(%dma_start3A_302 : memref<128x256xf32, #tpu.memory_space<hbm>>) target_semaphore(%dma_start3A_300 : memref<!tpu.dma_semaphore, #tpu.memory_space<semaphore_mem>>)
          "tpu.trace_stop"() : () -> ()
        } else {
        }
        %and3A_234 = arith.constant true
        %and3A_235 = arith.andi %or3A_230, %and3A_234 : i1
        %add3A_236 = arith.constant 1 : i32
        %add3A_237 = arith.addi %scan3A_128, %add3A_236 : i32
        %select_n3A_238 = arith.select %and3A_235, %add3A_237, %scan3A_128 : i32
        %ne3A_239 = arith.cmpi ne, %add3A_135, %add3A_144 : i32
        %or3A_240 = arith.constant false
        %or3A_241 = arith.ori %or3A_240, %ne3A_239 : i1
        %or3A_242 = arith.constant false
        %or3A_243 = arith.ori %or3A_241, %or3A_242 : i1
        %or3A_244 = arith.constant false
        %or3A_245 = arith.ori %or3A_243, %or3A_244 : i1
        %not3A_246 = arith.constant true
        %not3A_247 = arith.xori %eq3A_132, %not3A_246 : i1
        %and3A_248 = arith.andi %or3A_245, %not3A_247 : i1
        %convert_element_type3A_249 = arith.extui %and3A_248 : i1 to i32
        %cond3A_250 = arith.constant 0 : i32
        %cond3A_251 = arith.cmpi ne, %convert_element_type3A_249, %cond3A_250 : i32
        scf.if %cond3A_251 {
        } else {
        }
        %and3A_252 = arith.constant false
        %and3A_253 = arith.andi %and3A_248, %and3A_252 : i1
        %ne3A_254 = arith.cmpi ne, %add3A_135, %add3A_144 : i32
        %or3A_255 = arith.constant false
        %or3A_256 = arith.ori %or3A_255, %ne3A_254 : i1
        %or3A_257 = arith.constant false
        %or3A_258 = arith.ori %or3A_256, %or3A_257 : i1
        %not3A_259 = arith.constant true
        %not3A_260 = arith.xori %eq3A_132, %not3A_259 : i1
        %and3A_261 = arith.andi %or3A_258, %not3A_260 : i1
        %convert_element_type3A_262 = arith.extui %and3A_261 : i1 to i32
        %cond3A_263 = arith.constant 0 : i32
        %cond3A_264 = arith.cmpi ne, %convert_element_type3A_262, %cond3A_263 : i32
        scf.if %cond3A_264 {
          "tpu.trace_start"() <{level = 10 : i32, message = "ep_wait_out"}> : () -> ()
          %rem3A_289 = arith.constant 2 : i32
          %rem3A_290 = arith.remui %scan3A_129, %rem3A_289 : i32
          %mul3A_291 = arith.constant 128 : i32
          %mul3A_292 = arith.muli %mul3A_291, %add3A_144 : i32
          %dma_wait3A_293 = arith.constant 0 : i32
          %dma_wait3A_294 = arith.constant 0 : i32
          %dma_wait3A_295 = tpu.memref_slice %run_scoped3A_8[%rem3A_290, %dma_wait3A_293, %dma_wait3A_294] : memref<2x128x256xf32, #tpu.memory_space<vmem>> -> memref<1x128x256xf32, #tpu.memory_space<vmem>>
          %dma_wait3A_296 = tpu.memref_squeeze %dma_wait3A_295 : memref<1x128x256xf32, #tpu.memory_space<vmem>> -> memref<128x256xf32, #tpu.memory_space<vmem>>
          %dma_wait3A_297 = arith.constant 0 : i32
          %dma_wait3A_298 = tpu.memref_slice %arg4[%mul3A_292, %dma_wait3A_297] : memref<40960x256xf32, #tpu.memory_space<hbm>> -> memref<128x256xf32, #tpu.memory_space<hbm>>
          %dma_wait3A_299 = tpu.memref_slice %run_scoped3A_9[%rem3A_290] : memref<2x!tpu.dma_semaphore, #tpu.memory_space<semaphore_mem>> -> memref<1x!tpu.dma_semaphore, #tpu.memory_space<semaphore_mem>>
          %dma_wait3A_300 = tpu.memref_squeeze %dma_wait3A_299 : memref<1x!tpu.dma_semaphore, #tpu.memory_space<semaphore_mem>> -> memref<!tpu.dma_semaphore, #tpu.memory_space<semaphore_mem>>
          %dma_wait3A_301 = arith.constant 0 : i32
          %dma_wait3A_302 = tpu.memref_slice %arg4[%mul3A_292, %dma_wait3A_301] : memref<40960x256xf32, #tpu.memory_space<hbm>> -> memref<128x256xf32, #tpu.memory_space<hbm>>
          %dma_wait3A_303 = arith.constant 0 : i32
          %dma_wait3A_304 = arith.constant 0 : i32
          %dma_wait3A_305 = tpu.memref_slice %run_scoped3A_8[%rem3A_290, %dma_wait3A_303, %dma_wait3A_304] : memref<2x128x256xf32, #tpu.memory_space<vmem>> -> memref<1x128x256xf32, #tpu.memory_space<vmem>>
          %dma_wait3A_306 = tpu.memref_squeeze %dma_wait3A_305 : memref<1x128x256xf32, #tpu.memory_space<vmem>> -> memref<128x256xf32, #tpu.memory_space<vmem>>
          tpu.wait_dma2 semaphore(%dma_wait3A_300 : memref<!tpu.dma_semaphore, #tpu.memory_space<semaphore_mem>>) src(%dma_wait3A_306 : memref<128x256xf32, #tpu.memory_space<vmem>>) dst(%dma_wait3A_302 : memref<128x256xf32, #tpu.memory_space<hbm>>)
          "tpu.trace_stop"() : () -> ()
        } else {
        }
        %and3A_265 = arith.constant true
        %and3A_266 = arith.andi %and3A_261, %and3A_265 : i1
        %add3A_267 = arith.constant 1 : i32
        %add3A_268 = arith.addi %scan3A_129, %add3A_267 : i32
        %select_n3A_269 = arith.select %and3A_266, %add3A_268, %scan3A_129 : i32
        %ne3A_270 = arith.cmpi ne, %add3A_135, %add3A_153 : i32
        %or3A_271 = arith.constant false
        %or3A_272 = arith.ori %or3A_271, %ne3A_270 : i1
        %or3A_273 = arith.constant false
        %or3A_274 = arith.ori %or3A_272, %or3A_273 : i1
        %or3A_275 = arith.constant false
        %or3A_276 = arith.ori %or3A_274, %or3A_275 : i1
        %or3A_277 = arith.ori %or3A_276, %eq3A_134 : i1
        %add3A_278 = arith.constant 1 : i32
        %add3A_279 = arith.addi %scan3A_127, %add3A_278 : i32
        %select_n3A_280 = arith.select %or3A_277, %add3A_279, %scan3A_127 : i32
        %add3A_281 = arith.constant 1 : i32
        %add3A_282 = arith.addi %scan3A_130, %add3A_281 : i32
        %select_n3A_283 = arith.constant true
        %select_n3A_284 = arith.select %select_n3A_283, %add3A_282, %scan3A_130 : i32
        %eq3A_285 = arith.constant 10 : i32
        %eq3A_286 = arith.cmpi eq, %select_n3A_284, %eq3A_285 : i32
        %select_n3A_287 = arith.constant 0 : i32
        %select_n3A_288 = arith.select %eq3A_286, %select_n3A_287, %select_n3A_284 : i32
        scf.yield %select_n3A_175, %select_n3A_280, %select_n3A_238, %select_n3A_269, %select_n3A_288 : i32, i32, i32, i32, i32
      }
      %scan3A_72 = arith.constant 10 : i32
      %sub3A = arith.constant 1 : i32
      %sub3A_73 = arith.subi %scan3A_71#4, %sub3A : i32
      %select_n3A_74 = arith.constant true
      %select_n3A_75 = arith.select %select_n3A_74, %sub3A_73, %scan3A_71#4 : i32
      %eq3A_76 = arith.constant -1 : i32
      %eq3A_77 = arith.cmpi eq, %select_n3A_75, %eq3A_76 : i32
      %select_n3A_78 = arith.constant 9 : i32
      %select_n3A_79 = arith.select %eq3A_77, %select_n3A_78, %select_n3A_75 : i32
      %add3A_80 = arith.addi %select_n3A_79, %mul3A_6 : i32
      %sub3A_81 = arith.constant 1 : i32
      %sub3A_82 = arith.subi %select_n3A_79, %sub3A_81 : i32
      %select_n3A_83 = arith.constant true
      %select_n3A_84 = arith.select %select_n3A_83, %sub3A_82, %select_n3A_79 : i32
      %eq3A_85 = arith.constant -1 : i32
      %eq3A_86 = arith.cmpi eq, %select_n3A_84, %eq3A_85 : i32
      %select_n3A_87 = arith.constant 9 : i32
      %select_n3A_88 = arith.select %eq3A_86, %select_n3A_87, %select_n3A_84 : i32
      %add3A_89 = arith.addi %select_n3A_88, %mul3A_6 : i32
      %add3A_90 = arith.constant 1 : i32
      %add3A_91 = arith.addi %select_n3A_79, %add3A_90 : i32
      %select_n3A_92 = arith.constant true
      %select_n3A_93 = arith.select %select_n3A_92, %add3A_91, %select_n3A_79 : i32
      %eq3A_94 = arith.constant 10 : i32
      %eq3A_95 = arith.cmpi eq, %select_n3A_93, %eq3A_94 : i32
      %select_n3A_96 = arith.constant 0 : i32
      %select_n3A_97 = arith.select %eq3A_95, %select_n3A_96, %select_n3A_93 : i32
      %add3A_98 = arith.addi %select_n3A_97, %mul3A_6 : i32
      %add3A_99 = arith.constant 1 : i32
      %add3A_100 = arith.addi %select_n3A_97, %add3A_99 : i32
      %select_n3A_101 = arith.constant true
      %select_n3A_102 = arith.select %select_n3A_101, %add3A_100, %select_n3A_97 : i32
      %eq3A_103 = arith.constant 10 : i32
      %eq3A_104 = arith.cmpi eq, %select_n3A_102, %eq3A_103 : i32
      %select_n3A_105 = arith.constant 0 : i32
      %select_n3A_106 = arith.select %eq3A_104, %select_n3A_105, %select_n3A_102 : i32
      %add3A_107 = arith.addi %select_n3A_106, %mul3A_6 : i32
      "tpu.trace_start"() <{level = 10 : i32, message = "ep_finalize"}> : () -> ()
      %rem3A_108 = arith.constant 2 : i32
      %rem3A_109 = arith.remui %scan3A_71#3, %rem3A_108 : i32
      %mul3A_110 = arith.constant 128 : i32
      %mul3A_111 = arith.muli %mul3A_110, %add3A_80 : i32
      %dma_wait3A = arith.constant 0 : i32
      %dma_wait3A_112 = arith.constant 0 : i32
      %dma_wait3A_113 = tpu.memref_slice %run_scoped3A_8[%rem3A_109, %dma_wait3A, %dma_wait3A_112] : memref<2x128x256xf32, #tpu.memory_space<vmem>> -> memref<1x128x256xf32, #tpu.memory_space<vmem>>
      %dma_wait3A_114 = tpu.memref_squeeze %dma_wait3A_113 : memref<1x128x256xf32, #tpu.memory_space<vmem>> -> memref<128x256xf32, #tpu.memory_space<vmem>>
      %dma_wait3A_115 = arith.constant 0 : i32
      %dma_wait3A_116 = tpu.memref_slice %arg4[%mul3A_111, %dma_wait3A_115] : memref<40960x256xf32, #tpu.memory_space<hbm>> -> memref<128x256xf32, #tpu.memory_space<hbm>>
      %dma_wait3A_117 = tpu.memref_slice %run_scoped3A_9[%rem3A_109] : memref<2x!tpu.dma_semaphore, #tpu.memory_space<semaphore_mem>> -> memref<1x!tpu.dma_semaphore, #tpu.memory_space<semaphore_mem>>
      %dma_wait3A_118 = tpu.memref_squeeze %dma_wait3A_117 : memref<1x!tpu.dma_semaphore, #tpu.memory_space<semaphore_mem>> -> memref<!tpu.dma_semaphore, #tpu.memory_space<semaphore_mem>>
      %dma_wait3A_119 = arith.constant 0 : i32
      %dma_wait3A_120 = tpu.memref_slice %arg4[%mul3A_111, %dma_wait3A_119] : memref<40960x256xf32, #tpu.memory_space<hbm>> -> memref<128x256xf32, #tpu.memory_space<hbm>>
      %dma_wait3A_121 = arith.constant 0 : i32
      %dma_wait3A_122 = arith.constant 0 : i32
      %dma_wait3A_123 = tpu.memref_slice %run_scoped3A_8[%rem3A_109, %dma_wait3A_121, %dma_wait3A_122] : memref<2x128x256xf32, #tpu.memory_space<vmem>> -> memref<1x128x256xf32, #tpu.memory_space<vmem>>
      %dma_wait3A_124 = tpu.memref_squeeze %dma_wait3A_123 : memref<1x128x256xf32, #tpu.memory_space<vmem>> -> memref<128x256xf32, #tpu.memory_space<vmem>>
      tpu.wait_dma2 semaphore(%dma_wait3A_118 : memref<!tpu.dma_semaphore, #tpu.memory_space<semaphore_mem>>) src(%dma_wait3A_124 : memref<128x256xf32, #tpu.memory_space<vmem>>) dst(%dma_wait3A_120 : memref<128x256xf32, #tpu.memory_space<hbm>>)
      "tpu.trace_stop"() : () -> ()
      tpu.yield
    }) : () -> ()
    return
  }
}

module attributes {stable_mosaic.version = 14 : i64} {
  func.func @_transpose_body(%arg0: i32, %arg1: memref<256x4096xf32, #tpu.memory_space<vmem>>, %arg2: memref<4096x256xf32, #tpu.memory_space<vmem>>) attributes {dimension_semantics = [#tpu.dimension_semantics<parallel>], iteration_bounds = array<i64: 11>, scalar_prefetch = 0 : i64, scratch_operands = 0 : i64, tpu.core_type = #tpu.core_type<tc>, window_params = [{transform_indices = @transform_0, window_bounds = array<i64: 256, 4096>}, {transform_indices = @transform_1, window_bounds = array<i64: 4096, 256>}]} {
    %get3A = arith.constant 0 : index
    %get3A_0 = arith.constant 0 : index
    %get3A_1 = vector.load %arg1[%get3A, %get3A_0] : memref<256x4096xf32, #tpu.memory_space<vmem>>, vector<256x4096xf32>
    %transpose3A = tpu.transpose %get3A_1, [1, 0] : vector<256x4096xf32> -> vector<4096x256xf32>
    %swap3A = arith.constant 0 : index
    %swap3A_2 = arith.constant 0 : index
    %swap3A_3 = vector.load %arg2[%swap3A, %swap3A_2] : memref<4096x256xf32, #tpu.memory_space<vmem>>, vector<4096x256xf32>
    tpu.vector_store %arg2[%swap3A, %swap3A_2], %transpose3A {strides = array<i32>} : memref<4096x256xf32, #tpu.memory_space<vmem>>, vector<4096x256xf32>,
    return
  }
  func.func @transform_0(%arg0: i32) -> (i32, i32) {
    %add3A = arith.constant 0 : i32
    %add3A_0 = arith.addi %add3A, %arg0 : i32
    %c0_i32 = arith.constant 0 : i32
    %c0_i32_1 = arith.constant 0 : i32
    return %add3A_0, %c0_i32 : i32, i32
  }
  func.func @transform_1(%arg0: i32) -> (i32, i32) {
    %c0_i32 = arith.constant 0 : i32
    %c0_i32_0 = arith.constant 0 : i32
    return %arg0, %c0_i32 : i32, i32
  }
}

module attributes {stable_mosaic.version = 14 : i64} {
  func.func @_transpose_body(%arg0: i32, %arg1: memref<256x4096xf32, #tpu.memory_space<vmem>>, %arg2: memref<4096x256xf32, #tpu.memory_space<vmem>>) attributes {dimension_semantics = [#tpu.dimension_semantics<parallel>], iteration_bounds = array<i64: 11>, scalar_prefetch = 0 : i64, scratch_operands = 0 : i64, tpu.core_type = #tpu.core_type<tc>, window_params = [{transform_indices = @transform_0, window_bounds = array<i64: 256, 4096>}, {transform_indices = @transform_1, window_bounds = array<i64: 4096, 256>}]} {
    %get3A = arith.constant 0 : index
    %get3A_0 = arith.constant 0 : index
    %get3A_1 = vector.load %arg1[%get3A, %get3A_0] : memref<256x4096xf32, #tpu.memory_space<vmem>>, vector<256x4096xf32>
    %transpose3A = tpu.transpose %get3A_1, [1, 0] : vector<256x4096xf32> -> vector<4096x256xf32>
    %swap3A = arith.constant 0 : index
    %swap3A_2 = arith.constant 0 : index
    %swap3A_3 = vector.load %arg2[%swap3A, %swap3A_2] : memref<4096x256xf32, #tpu.memory_space<vmem>>, vector<4096x256xf32>
    tpu.vector_store %arg2[%swap3A, %swap3A_2], %transpose3A {strides = array<i32>} : memref<4096x256xf32, #tpu.memory_space<vmem>>, vector<4096x256xf32>,
    return
  }
  func.func @transform_0(%arg0: i32) -> (i32, i32) {
    %add3A = arith.constant 11 : i32
    %add3A_0 = arith.addi %add3A, %arg0 : i32
    %c0_i32 = arith.constant 0 : i32
    %c0_i32_1 = arith.constant 0 : i32
    return %add3A_0, %c0_i32 : i32, i32
  }
  func.func @transform_1(%arg0: i32) -> (i32, i32) {
    %c0_i32 = arith.constant 0 : i32
    %c0_i32_0 = arith.constant 0 : i32
    return %arg0, %c0_i32 : i32, i32
  }
}

module attributes {stable_mosaic.version = 14 : i64} {
  func.func @_transpose_body(%arg0: i32, %arg1: memref<256x4096xf32, #tpu.memory_space<vmem>>, %arg2: memref<4096x256xf32, #tpu.memory_space<vmem>>) attributes {dimension_semantics = [#tpu.dimension_semantics<parallel>], iteration_bounds = array<i64: 10>, scalar_prefetch = 0 : i64, scratch_operands = 0 : i64, tpu.core_type = #tpu.core_type<tc>, window_params = [{transform_indices = @transform_0, window_bounds = array<i64: 256, 4096>}, {transform_indices = @transform_1, window_bounds = array<i64: 4096, 256>}]} {
    %get3A = arith.constant 0 : index
    %get3A_0 = arith.constant 0 : index
    %get3A_1 = vector.load %arg1[%get3A, %get3A_0] : memref<256x4096xf32, #tpu.memory_space<vmem>>, vector<256x4096xf32>
    %transpose3A = tpu.transpose %get3A_1, [1, 0] : vector<256x4096xf32> -> vector<4096x256xf32>
    %swap3A = arith.constant 0 : index
    %swap3A_2 = arith.constant 0 : index
    %swap3A_3 = vector.load %arg2[%swap3A, %swap3A_2] : memref<4096x256xf32, #tpu.memory_space<vmem>>, vector<4096x256xf32>
    tpu.vector_store %arg2[%swap3A, %swap3A_2], %transpose3A {strides = array<i32>} : memref<4096x256xf32, #tpu.memory_space<vmem>>, vector<4096x256xf32>,
    return
  }
  func.func @transform_0(%arg0: i32) -> (i32, i32) {
    %add3A = arith.constant 22 : i32
    %add3A_0 = arith.addi %add3A, %arg0 : i32
    %c0_i32 = arith.constant 0 : i32
    %c0_i32_1 = arith.constant 0 : i32
    return %add3A_0, %c0_i32 : i32, i32
  }
  func.func @transform_1(%arg0: i32) -> (i32, i32) {
    %c0_i32 = arith.constant 0 : i32
    %c0_i32_0 = arith.constant 0 : i32
    return %arg0, %c0_i32 : i32, i32
  }
}

module attributes {stable_mosaic.version = 14 : i64} {
  func.func @_transpose_body(%arg0: i32, %arg1: memref<4096x256xf32, #tpu.memory_space<vmem>>, %arg2: memref<256x4096xf32, #tpu.memory_space<vmem>>) attributes {dimension_semantics = [#tpu.dimension_semantics<parallel>], iteration_bounds = array<i64: 11>, scalar_prefetch = 0 : i64, scratch_operands = 0 : i64, tpu.core_type = #tpu.core_type<tc>, window_params = [{transform_indices = @transform_0, window_bounds = array<i64: 4096, 256>}, {transform_indices = @transform_1, window_bounds = array<i64: 256, 4096>}]} {
    %get3A = arith.constant 0 : index
    %get3A_0 = arith.constant 0 : index
    %get3A_1 = vector.load %arg1[%get3A, %get3A_0] : memref<4096x256xf32, #tpu.memory_space<vmem>>, vector<4096x256xf32>
    %transpose3A = tpu.transpose %get3A_1, [1, 0] : vector<4096x256xf32> -> vector<256x4096xf32>
    %swap3A = arith.constant 0 : index
    %swap3A_2 = arith.constant 0 : index
    %swap3A_3 = vector.load %arg2[%swap3A, %swap3A_2] : memref<256x4096xf32, #tpu.memory_space<vmem>>, vector<256x4096xf32>
    tpu.vector_store %arg2[%swap3A, %swap3A_2], %transpose3A {strides = array<i32>} : memref<256x4096xf32, #tpu.memory_space<vmem>>, vector<256x4096xf32>,
    return
  }
  func.func @transform_0(%arg0: i32) -> (i32, i32) {
    %c0_i32 = arith.constant 0 : i32
    %c0_i32_0 = arith.constant 0 : i32
    return %arg0, %c0_i32 : i32, i32
  }
  func.func @transform_1(%arg0: i32) -> (i32, i32) {
    %c0_i32 = arith.constant 0 : i32
    %c0_i32_0 = arith.constant 0 : i32
    return %arg0, %c0_i32 : i32, i32
  }
}

module attributes {stable_mosaic.version = 14 : i64} {
  func.func @body(%arg0: i32, %arg1: memref<4096x256xf32, #tpu.memory_space<vmem>>, %arg2: memref<8192x4096xf32, #tpu.memory_space<any>>, %arg3: memref<256x4096xf32, #tpu.memory_space<vmem>>) attributes {dimension_semantics = [#tpu.dimension_semantics<parallel>], iteration_bounds = array<i64: 11>, scalar_prefetch = 0 : i64, scratch_operands = 0 : i64, tpu.core_type = #tpu.core_type<tc>, window_params = [{transform_indices = @transform_0, window_bounds = array<i64: 4096, 256>}, {}, {transform_indices = @transform_2, window_bounds = array<i64: 256, 4096>}]} {
    %get3A = arith.constant 0 : index
    %get3A_0 = arith.constant 0 : index
    %get3A_1 = vector.load %arg1[%get3A, %get3A_0] : memref<4096x256xf32, #tpu.memory_space<vmem>>, vector<4096x256xf32>
    %transpose3A = tpu.transpose %get3A_1, [1, 0] : vector<4096x256xf32> -> vector<256x4096xf32>
    %swap3A = arith.constant 0 : index
    %swap3A_2 = arith.constant 0 : index
    %swap3A_3 = vector.load %arg3[%swap3A, %swap3A_2] : memref<256x4096xf32, #tpu.memory_space<vmem>>, vector<256x4096xf32>
    tpu.vector_store %arg3[%swap3A, %swap3A_2], %transpose3A {strides = array<i32>} : memref<256x4096xf32, #tpu.memory_space<vmem>>, vector<256x4096xf32>,
    return
  }
  func.func @transform_0(%arg0: i32) -> (i32, i32) {
    %c0_i32 = arith.constant 0 : i32
    %c0_i32_0 = arith.constant 0 : i32
    return %arg0, %c0_i32 : i32, i32
  }
  func.func @transform_2(%arg0: i32) -> (i32, i32) {
    %add3A = arith.constant 11 : i32
    %add3A_0 = arith.addi %add3A, %arg0 : i32
    %c0_i32 = arith.constant 0 : i32
    %c0_i32_1 = arith.constant 0 : i32
    return %add3A_0, %c0_i32 : i32, i32
  }
}

module attributes {stable_mosaic.version = 14 : i64} {
  func.func @body(%arg0: i32, %arg1: memref<4096x256xf32, #tpu.memory_space<vmem>>, %arg2: memref<8192x4096xf32, #tpu.memory_space<any>>, %arg3: memref<256x4096xf32, #tpu.memory_space<vmem>>) attributes {dimension_semantics = [#tpu.dimension_semantics<parallel>], iteration_bounds = array<i64: 10>, scalar_prefetch = 0 : i64, scratch_operands = 0 : i64, tpu.core_type = #tpu.core_type<tc>, window_params = [{transform_indices = @transform_0, window_bounds = array<i64: 4096, 256>}, {}, {transform_indices = @transform_2, window_bounds = array<i64: 256, 4096>}]} {
    %get3A = arith.constant 0 : index
    %get3A_0 = arith.constant 0 : index
    %get3A_1 = vector.load %arg1[%get3A, %get3A_0] : memref<4096x256xf32, #tpu.memory_space<vmem>>, vector<4096x256xf32>
    %transpose3A = tpu.transpose %get3A_1, [1, 0] : vector<4096x256xf32> -> vector<256x4096xf32>
    %swap3A = arith.constant 0 : index
    %swap3A_2 = arith.constant 0 : index
    %swap3A_3 = vector.load %arg3[%swap3A, %swap3A_2] : memref<256x4096xf32, #tpu.memory_space<vmem>>, vector<256x4096xf32>
    tpu.vector_store %arg3[%swap3A, %swap3A_2], %transpose3A {strides = array<i32>} : memref<256x4096xf32, #tpu.memory_space<vmem>>, vector<256x4096xf32>,
    return
  }
  func.func @transform_0(%arg0: i32) -> (i32, i32) {
    %c0_i32 = arith.constant 0 : i32
    %c0_i32_0 = arith.constant 0 : i32
    return %arg0, %c0_i32 : i32, i32
  }
  func.func @transform_2(%arg0: i32) -> (i32, i32) {
    %add3A = arith.constant 22 : i32
    %add3A_0 = arith.addi %add3A, %arg0 : i32
    %c0_i32 = arith.constant 0 : i32
    %c0_i32_1 = arith.constant 0 : i32
    return %add3A_0, %c0_i32 : i32, i32
  }
}

</mosaic_0001>

<sc_bundles>
// kernel: kernel.11.cloned.1.call-start
scs
__scs_entry_jumppad:
0x0: {  	(pc) =	sbr.rel $0x88, $3  }
0x1: {  	(tag) =	ssettag $0x0;
	lr =	simm.s32 $0x1  }
0x2: {  	[smem:$0x3F9F] =	sst lr;
	_ =	strace $0xD0000000  }
0x3: {  	_ = 	snop  }
0x4: {  	_ = 	snop  }
0x5: {  	_ = 	snop  }
0x6: {  	_ = 	snop  }
0x7: {  	_ = 	snop  }
__scs_overlays_trampoline_lowered:
0x8: {  	[smem:$0x3FAE] =	sst s0  }
0x9: {  	[smem:$0x3FAF] =	sst s1  }
0xa: {  	[smem:$0x3FB0] =	sst s2  }
0xb: {  	[smem:$0x3FB1] =	sst s3  }
0xc: {  	[smem:$0x3FB2] =	sst s4  }
0xd: {  	[smem:$0x3FB3] =	sst s5  }
0xe: {  	[smem:$0x3FB4] =	sst s6  }
0xf: {  	[smem:$0x3FB5] =	sst s7  }
0x10: {  	[smem:$0x3FB6] =	sst s8  }
0x11: {  	[smem:$0x3FB7] =	sst s9;
	s0 =	simm.s32 @!p0 $0x0  }
0x12: {  	s1 =	sld [smem:$0x3F9D];
	s0 =	simm.s32 @p0 $0x1  }
0x13: {  	[smem:$0x3FB8] =	sst s0;
	s0 =	simm.s32 @!p1 $0x0  }
0x14: {  	s2 =	sld [smem:$0x3F9C];
	s0 =	simm.s32 @p1 $0x1  }
0x15: {  	[smem:$0x3FB9] =	sst s0;
	s0 =	simm.s32 @!p2 $0x0  }
0x16: {  	s3 =	sld [smem:$0x3FDB];
	s0 =	simm.s32 @p2 $0x1  }
0x17: {  	s4 =	simm.s32 $0x1BF5;
	[smem:$0x3FBB] =	sst s0  }
0x18: {  	s0 =	sld [smem:$0x3F9E];
	_ =	swait.ge [sflag:s4], $0x0  }
0x19: {  	s7 =	sld [smem:$0x3F9F]  }
0x1a: {  	s8 =	sadd.s32 $0xFFFFE003, lr  }
0x1b: {  	s9 =	sadd.s32 $0xFFFFFEF7, lr;
	s5 =	simm.s32 $0xFFFFFFFF;
	p2 =	slt.u32 s8, $0xFFFFF086  }
0x1c: {  	p1 =	slt.u32 s9, $0xF7A;
	s5 =	simm.s32 @!p2 $0x0  }
0x1d: {  	s5 =	simm.s32 @p1 $0x1;
	p0 =	seq.s32 s7, s2  }
0x1e: {  	s7 =	smul.u32 @!p0 $0xF7A, s2;
	p2 =	seq.s32 @!p0 s5, $0x0  }
0x1f: {  	s9 =	smul.u32 $0xF7A, s1;
	s8 =	simm.s32 @!p0 $0x1BF5;
	p2 =	por !p2, p0  }
0x20: {  	[sflag:s8] =	ssyncset.s32 @!p0 $0xFFFFF086;
	s6 =	sadd.s32 @!p0 s3, s7;
	s7 =	simm.s32 @!p0 $0x108  }
0x21: {  	s3 =	sadd.s32 s3, s9;
	s6 =	sadd.s32 @!p0 $0x88, s6;
	s7 =	simm.s32 @p2 $0x1082  }
0x22: {  	[simem:s7], [sflag:s8] =	dma.local @!p0 [hbm:s6], $0xF7A  }
0x23: {  	s9 =	sor.u32 $0xD0000000, s2;
	s6 =	simm.s32 $0x108;
	_ =	swait.ge @!p0 [sflag:s8], $0x0  }
0x24: {  	s3 =	sadd.s32 $0x88, s3;
	s6 =	simm.s32 @!p1 $0x1082;
	[sflag:s4] =	ssyncset.s32 $0xFFFFF086  }
0x25: {  	[simem:s6], [sflag:s4] =	dma.local [hbm:s3], $0xF7A  }
0x26: {  	[smem:$0x3F9F] =	sst s1;
	(tag) =	ssettag s2;
	_ =	strace s9  }
0x27: {  	s1 =	sld [smem:$0x3FAF]  }
0x28: {  	s2 =	sld [smem:$0x3FB0]  }
0x29: {  	s4 =	sld [smem:$0x3FB2]  }
0x2a: {  	p0 =	seq.s32 s5, $0x0;
	s5 =	sld [smem:$0x3FB3]  }
0x2b: {  	s6 =	sld [smem:$0x3FB4]  }
0x2c: {  	s7 =	sld [smem:$0x3FB5]  }
0x2d: {  	s3 =	simm.s32 $0x108;
	s8 =	sld [smem:$0x3FB6]  }
0x2e: {  	s3 =	simm.s32 @!p0 $0x1082;
	s9 =	sld [smem:$0x3FB7]  }
0x2f: {  	lr =	sadd.s32 s0, s3;
	s0 =	sld [smem:$0x3FAE]  }
0x30: {  	s3 =	sld [smem:$0x3FB1]  }
0x31: {  	[smem:$0x3FBA] =	sst s10  }
0x32: {  	s10 =	sld [smem:$0x3FB8];
	_ =	sdelay $0x3  }
0x33: {  	p0 =	seq.s32 s10, $0x1;
	s10 =	sld [smem:$0x3FBA];
	_ =	sdelay $0x3  }
0x34: {  	[smem:$0x3FBA] =	sst s10  }
0x35: {  	s10 =	sld [smem:$0x3FB9];
	_ =	sdelay $0x3  }
0x36: {  	p1 =	seq.s32 s10, $0x1;
	s10 =	sld [smem:$0x3FBA];
	_ =	sdelay $0x3  }
0x37: {  	[smem:$0x3FBA] =	sst s10  }
0x38: {  	s10 =	sld [smem:$0x3FBB]  }
0x39: {  	_ = 	snop;
	(pc) =	sbr.ind lr, $3  }
0x3a: {  	_ = 	snop  }
0x3b: {  	_ = 	snop  }
0x3c: {  	p2 =	seq.s32 s10, $0x1;
	s10 =	sld [smem:$0x3FBA]  }
0x3d: {  	_ =	shalt  }
0x3e: {  	_ =	shalt  }
0x3f: {  	_ =	shalt  }
0x40: {  	_ =	shalt  }
0x41: {  	_ =	shalt  }
0x42: {  	_ =	shalt  }
0x43: {  	_ =	shalt  }
0x44: {  	_ =	shalt  }
0x45: {  	_ =	shalt  }
0x46: {  	_ =	shalt  }
0x47: {  	_ =	shalt  }
0x48: {  	_ =	shalt  }
0x49: {  	_ =	shalt  }
0x4a: {  	_ =	shalt  }
0x4b: {  	_ =	shalt  }
0x4c: {  	_ =	shalt  }
0x4d: {  	_ =	shalt  }
0x4e: {  	_ =	shalt  }
0x4f: {  	_ =	shalt  }
0x50: {  	_ =	shalt  }
0x51: {  	_ =	shalt  }
0x52: {  	_ =	shalt  }
0x53: {  	_ =	shalt  }
0x54: {  	_ =	shalt  }
0x55: {  	_ =	shalt  }
0x56: {  	_ =	shalt  }
0x57: {  	_ =	shalt  }
0x58: {  	_ =	shalt  }
0x59: {  	_ =	shalt  }
0x5a: {  	_ =	shalt  }
0x5b: {  	_ =	shalt  }
0x5c: {  	_ =	shalt  }
0x5d: {  	_ =	shalt  }
0x5e: {  	_ =	shalt  }
0x5f: {  	_ =	shalt  }
0x60: {  	_ =	shalt  }
0x61: {  	_ =	shalt  }
0x62: {  	_ =	shalt  }
0x63: {  	_ =	shalt  }
0x64: {  	_ =	shalt  }
0x65: {  	_ =	shalt  }
0x66: {  	_ =	shalt  }
0x67: {  	_ =	shalt  }
0x68: {  	_ =	shalt  }
0x69: {  	_ =	shalt  }
0x6a: {  	_ =	shalt  }
0x6b: {  	_ =	shalt  }
0x6c: {  	_ =	shalt  }
0x6d: {  	_ =	shalt  }
0x6e: {  	_ =	shalt  }
0x6f: {  	_ =	shalt  }
0x70: {  	_ =	shalt  }
0x71: {  	_ =	shalt  }
0x72: {  	_ =	shalt  }
0x73: {  	_ =	shalt  }
0x74: {  	_ =	shalt  }
0x75: {  	_ =	shalt  }
0x76: {  	_ =	shalt  }
0x77: {  	_ =	shalt  }
0x78: {  	_ =	shalt  }
0x79: {  	_ =	shalt  }
0x7a: {  	_ =	shalt  }
0x7b: {  	_ =	shalt  }
0x7c: {  	_ =	shalt  }
0x7d: {  	_ =	shalt  }
0x7e: {  	_ =	shalt  }
0x7f: {  	_ =	shalt  }
0x80: {  	_ =	shalt  }
0x81: {  	_ =	shalt  }
0x82: {  	_ =	shalt  }
0x83: {  	_ =	shalt  }
0x84: {  	_ =	shalt  }
0x85: {  	_ =	shalt  }
0x86: {  	_ =	shalt  }
0x87: {  	_ =	shalt  }
.Lfunc_end0:
.L_simem_size_0:
called_computation_lowered:
.L_overlay_start_0:
0x88: {  	s2 =	sld [smem:$0x3FD9]  }
0x89: {  	s3 =	sld [smem:$0x3FFE];
	_ =	sdelay $0x1  }
0x8a: {  	s1 =	srdreg.scid  }
0x8b: {  	s0 =	sand.u32 $0x1, s1  }
0x8c: {  	s17 =	sshll.u32 s0, $0xA;
	s2 =	sadd.s32 s3, s2  }
0x8d: {  	s2 =	sadd.s32 s2, s17  }
0x8e: {  	[smem:$0x3FC6] =	sst s2  }
0x8f: {  	_ = 	snop  }
0x90: {  	s2 =	sld [smem:$0x3FD0];
	(tm) =	ssettm $0x1  }
0x91: {  	s18 =	sld [smem:$0x3FFB];
	_ =	sdelay $0x3  }
0x92: {  	_ =	strace s18  }
0x93: {  	s3 =	sld [smem:$0x3FFC];
	_ =	sdelay $0x3  }
0x94: {  	_ =	strace s3  }
0x95: {  	s3 =	sld [smem:$0x3FFD];
	_ =	sdelay $0x3  }
0x96: {  	_ =	strace s3  }
0x97: {  	_ =	strace $0x8FFFFFFF  }
0x98: {  	s19 =	sld [smem:$0x3FDB];
	_ =	sdelay $0x1  }
0x99: {  	s4 =	simm.s32 $_scs_section_size  }
0x9a: {  	s5 =	simm.s32 $_size__tile_overlayer_lowered;
	s6 =	simm.s32 $_tile_overlayer_lowered  }
0x9b: {  	s22 =	simm.s32 $0x1BFF;
	s21 =	sshll.u32 s6, $0x1;
	s3 =	sadd.s32 s4, s19  }
0x9c: {  	s7 =	simm.s32 $0x0;
	s20 =	sshll.u32 s5, $0x1;
	s5 =	sadd.s32 s21, s3  }
0x9d: {  	[timem:s7], [sflag:s22] =	dma.local [hbm:s5], s20  }
0x9e: {  	_ =	swait.ge [sflag:s22], s20  }
0x9f: {  	s4 =	ssub.s32 $0x0, s20;
	[sflag:s22] =	ssyncset.done $0x0  }
0xa0: {  	[sflag:s22] =	ssyncadd.s32 s4;
	_ =	sdelay $0x1  }
0xa1: {  	s23 =	simm.s32 $0x1B8B  }
0xa2: {  	_ =	swait.ge [sflag:s23], $0x1  }
0xa3: {  	[sflag:s23] =	ssyncset.done $0x0  }
0xa4: {  	s25 =	simm.s32 $0x1B8E;
	s24 =	sld [smem:$0x3FFE];
	[sflag:s23] =	ssyncadd.s32 $0xFFFFFFFF  }
0xa5: {  	s26 =	simm.s32 $execute0_lowered;
	[smem:$0x3FD2] =	sst s25  }
0xa6: {  	s5 =	sshll.u32 s26, $0x1;
	_ =	strace $0x80000046;
	[dreg:$0x1] =	wrdreg $0xFFFFFFFF  }
0xa7: {  	s28 =	simm.s32 $_size_execute0_lowered;
	s3 =	sadd.s32 s3, s5;
	[dreg:$0x0] =	wrdreg $0x0  }
0xa8: {  	s5 =	sshll.u32 s28, $0x1;
	[dreg:$0x2] =	wrdreg s3  }
0xa9: {  	[dreg:$0x3] =	wrdreg s5  }
0xaa: {  	[dreg:$0x4] =	wrdreg $0xC0  }
0xab: {  	_ =	task [dreg:s7], $0x5FFFF  }
0xac: {  	[dreg:$0x1] =	wrdreg $0xFFFFFFFF  }
0xad: {  	[dreg:$0x0] =	wrdreg $0x60  }
0xae: {  	[dreg:$0x2] =	wrdreg s2  }
0xaf: {  	[dreg:$0x3] =	wrdreg s24  }
0xb0: {  	[dreg:$0x4] =	wrdreg $0x9  }
0xb1: {  	_ =	task.clear_ibuf [dreg:s7], $0x5FFFF;
	_ =	strace $0x90000046  }
0xb2: {  	s29 =	simm.s32 $0x9;
	_ =	strace $0x8000004F  }
0xb3: {  	_ =	swait.ge [sflag:s29], $0x1  }
0xb4: {  	[sflag:s29] =	ssyncadd.s32 $0xFFFFFFFF  }
0xb5: {  	_ =	strace $0x9000004F  }
0xb6: {  	_ =	sfence  }
0xb7: {  	s30 =	sld [smem:$0x0];
	_ =	sdelay $0x2  }
0xb8: {  	s31 =	sshll.u32 s1, $0xD;
	s1 =	sshrl.u32 s1, $0x2  }
0xb9: {  	s3 =	sand.u32 $0x4000, s31;
	s1 =	sadd.s32 s1, s30  }
0xba: {  	s0 =	sor.u32 s3, s0;
	s1 =	sshll.u32 s1, $0x11  }
0xbb: {  	s0 =	sor.u32 s1, s0  }
0xbc: {  	s0 =	sadd.s32 $0x8F2B, s0  }
0xbd: {  	[sflag:s0] =	ssyncadd.remote.s32 $0x1  }
0xbe: {  	_ =	sfence.sel $0xFFFF  }
0xbf: {  	[dreg:$0x0] =	wrdreg $0xFFFFFFFF;
	(pc) =	sbr.abs _section_cstart, $3  }
0xc0: {  	[dreg:$0x1] =	wrdreg $0xFFFFFFFF  }
0xc1: {  	_ =	task.clear_ibuf [dreg:s7], $0x2FFFF;
	_ =	strace $0x9FFFFFFF  }
0xc2: {  	(tm) =	ssettm $0x7FFFFFFF  }
0xc3: {  	_ =	shalt  }
tec
execute0_lowered:
.L_overlay_start_1:
0x0: {  	(tag) =	ssettag $0x1  }
0x1: {  	s1 =	rddreg [dreg:$0x0]  }
0x2: {  	s4 =	rddreg [dreg:$0x1];
	s2 =	srdreg.scid  }
0x3: {  	s0 =	rddreg [dreg:$0x2];
	s3 =	simm.s32 $0x0;
	s10 =	simm.s32 $0x0  }
0x4: {  	s5 =	sand.u32 $0x1, s2;
	[smem:$0x7FF] =	sst s3;
	s2 =	stileid.u32  }
0x5: {  	s7 =	sadd.s32 $0x2C00, s4;
	s4 =	sadd.s32 $0x1600, s4;
	s6 =	sshll.u32 s5, $0x4  }
0x6: {  	_ =	strace $0x80000047;
	s5 =	ssub.s32 $0x2, s5;
	s6 =	sor.u32 s2, s6  }
0x7: {  	v2 =	vlaneseq.u32;
	[dreg:$0x3] =	wrdreg s7;
	s8 =	sshrl.u32 s5, $0x1;
	s9 =	smul.u32 $0xB0, s6  }
0x8: {  	vm0 =	vmmov $0xffff;
	v1 =	vshrl.u32 v2, $0x3;
	s31 =	ssub.s32 s5, s8;
	s5 =	smul.u32 $0xB, s6;
	s8 =	simm.s32 $0x5  }
0x9: {  	v0 =	vand.u32 $0x7, v2;
	v2 =	vor.u32 $0x8, v2;
	v1 =	vmul.u32 $0x8, v1;
	s7 =	smax.u32 s31, $0x1;
	s6 =	sadd.s32 s4, s9;
	s9 =	simm.s32 $0x3  }
.LBB2_1:
0xa: {  	_ =	strace $0x80000048;
	s11 =	simm.s32 $0xB  }
0xb: {  	s12 =	simm.s32 $0x0;
	s13 =	simm.s32 $0x0;
	s14 =	simm.s32 $0x0  }
0xc: {  	[tilespmem:s3], [sflag:$0x1] =	stream.linear.gather [hbm4b:s6+s3], $0x80, $0x200038;
	[tilespmem:$0x10100] =	vst v63  }
0xd: {  	s15 =	simm.s32 $0x0;
	s16 =	simm.s32 $0x1;
	_ =	strace $0x90000048  }
.LBB2_2:
0xe: {  	s17 =	smov.u32 s12;
	s12 =	sadd.s32 $0x1, s12  }
0xf: {  	p0 =	seq.s32 s12, $0xB  }
0x10: {  	s12 =	simm.s32 @p0 $0x0  }
0x11: {  	p6 =	sne.s32 s11, $0x1;
	p1 =	sne.s32 s17, s12  }
0x12: {  	p0 =	por !p6, !p1  }
0x13: {  	p0 =	por !p0, !p0  }
0x14: {  	s18 =	sadd.s32 @p0 s5, s12  }
0x15: {  	s19 =	sand.u32 @p0 $0x1, s16;
	s18 =	sshll.u32 @p0 s18, $0x4  }
0x16: {  	_ =	strace @p0 $0x80000049;
	s21 =	simm.s32 @p0 $0x0;
	s18 =	sand.u32 @p0 $0x1FFFFFF0, s18  }
0x17: {  	s20 =	sshll.u32 @p0 s19, $0x7;
	s19 =	sadd.s32 @p0 $0x1, s19;
	s18 =	sadd.s32 @p0 s4, s18  }
0x18: {  	[tilespmem:s20], [sflag:s19] =	stream.linear.gather @p0 [hbm4b:s18+s21], $0x80, $0x200038;
	[tilespmem:$0x10100] =	vst v63  }
0x19: {  	s24 =	sand.u32 $0x1, s15;
	_ =	strace @p0 $0x90000049  }
0x1a: {  	s18 =	sadd.s32 $0x1, s24;
	_ =	strace $0x8000004A  }
0x1b: {  	_ =	swait.ge [sflag:s18], $0x80  }
0x1c: {  	[sflag:s18] =	ssyncset.done $0x0  }
0x1d: {  	[sflag:s18] =	ssyncadd.s32 $0xFFFFFF80  }
0x1e: {  	s25 =	sshll.u32 s15, $0x7;
	_ =	strace $0x9000004A  }
0x1f: {  	s21 =	sand.u32 $0x80, s25;
	_ =	strace $0x8000004B  }
0x20: {  	v3 =	vld [tilespmem:s21+$0x0];
	_ =	sdelay $0x4  }
0x21: {  	v4 =	vshll.u32 v3, $0x1  }
0x22: {  	v3 =	vand.u32 $0x7, v3;
	v4 =	vand.u32 $0xFFFFFFF0, v4  }
0x23: {  	v3 =	vor.u32 v3, v4  }
0x24: {  	v4 =	vperm.xlane v3, v0;
	_ =	sdelay $0x1  }
0x25: {  	v3 =	vperm.xlane v3, v2;
	v4 =	vadd.s32 v1, v4;
	_ =	sdelay $0x1  }
0x26: {  	s18 =	sand.u32 $0x1, s14;
	v3 =	vadd.s32 v1, v3  }
0x27: {  	s20 =	sshll.u32 s18, $0xF  }
0x28: {  	s19 =	sor.u32 $0x100, s20  }
0x29: {  	[tilespmem:s19], [sflag:$0x5] =	stream.indirect_vreg.gather [hbm4b:s1+s3], $0x80, v4, vm0, $0x2000b8;
	[tilespmem:$0x10100] =	vst v63  }
0x2a: {  	s22 =	sor.u32 $0x900, s20  }
0x2b: {  	[tilespmem:s22], [sflag:$0x5] =	stream.indirect_vreg.gather [hbm4b:s1+s3], $0x80, v3, vm0, $0x2000b8;
	[tilespmem:$0x10100] =	vst v63  }
0x2c: {  	v3 =	vld [tilespmem:s21+$0x10];
	_ =	sdelay $0x4  }
0x2d: {  	v57 =	vshll.u32 v3, $0x1  }
0x2e: {  	v3 =	vand.u32 $0x7, v3;
	v4 =	vand.u32 $0xFFFFFFF0, v57  }
0x2f: {  	v3 =	vor.u32 v3, v4  }
0x30: {  	v4 =	vperm.xlane v3, v0;
	_ =	sdelay $0x1  }
0x31: {  	v3 =	vperm.xlane v3, v2;
	v4 =	vadd.s32 v1, v4;
	_ =	sdelay $0x1  }
0x32: {  	v3 =	vadd.s32 v1, v3;
	_ =	sdelay $0x1  }
0x33: {  	s26 =	sor.u32 $0x1100, s20  }
0x34: {  	[tilespmem:s26], [sflag:$0x5] =	stream.indirect_vreg.gather [hbm4b:s1+s3], $0x80, v4, vm0, $0x2000b8;
	[tilespmem:$0x10100] =	vst v63  }
0x35: {  	s28 =	sor.u32 $0x1900, s20  }
0x36: {  	[tilespmem:s28], [sflag:$0x5] =	stream.indirect_vreg.gather [hbm4b:s1+s3], $0x80, v3, vm0, $0x2000b8;
	[tilespmem:$0x10100] =	vst v63  }
0x37: {  	v3 =	vld [tilespmem:s21+$0x20];
	_ =	sdelay $0x4  }
0x38: {  	v58 =	vshll.u32 v3, $0x1  }
0x39: {  	v3 =	vand.u32 $0x7, v3;
	v4 =	vand.u32 $0xFFFFFFF0, v58  }
0x3a: {  	v3 =	vor.u32 v3, v4  }
0x3b: {  	v4 =	vperm.xlane v3, v0;
	_ =	sdelay $0x1  }
0x3c: {  	v3 =	vperm.xlane v3, v2;
	v4 =	vadd.s32 v1, v4;
	_ =	sdelay $0x1  }
0x3d: {  	v3 =	vadd.s32 v1, v3;
	_ =	sdelay $0x1  }
0x3e: {  	s29 =	sor.u32 $0x2100, s20  }
0x3f: {  	[tilespmem:s29], [sflag:$0x5] =	stream.indirect_vreg.gather [hbm4b:s1+s3], $0x80, v4, vm0, $0x2000b8;
	[tilespmem:$0x10100] =	vst v63  }
0x40: {  	s30 =	sor.u32 $0x2900, s20  }
0x41: {  	[tilespmem:s30], [sflag:$0x5] =	stream.indirect_vreg.gather [hbm4b:s1+s3], $0x80, v3, vm0, $0x2000b8;
	[tilespmem:$0x10100] =	vst v63  }
0x42: {  	v3 =	vld [tilespmem:s21+$0x30];
	_ =	sdelay $0x4  }
0x43: {  	v59 =	vshll.u32 v3, $0x1  }
0x44: {  	v3 =	vand.u32 $0x7, v3;
	v4 =	vand.u32 $0xFFFFFFF0, v59  }
0x45: {  	v3 =	vor.u32 v3, v4  }
0x46: {  	v4 =	vperm.xlane v3, v0;
	_ =	sdelay $0x1  }
0x47: {  	v3 =	vperm.xlane v3, v2;
	v4 =	vadd.s32 v1, v4;
	_ =	sdelay $0x1  }
0x48: {  	v3 =	vadd.s32 v1, v3;
	_ =	sdelay $0x1  }
0x49: {  	s31 =	sor.u32 $0x3100, s20  }
0x4a: {  	[tilespmem:s31], [sflag:$0x5] =	stream.indirect_vreg.gather [hbm4b:s1+s3], $0x80, v4, vm0, $0x2000b8;
	[tilespmem:$0x10100] =	vst v63  }
0x4b: {  	s23 =	sor.u32 $0x3900, s20  }
0x4c: {  	[tilespmem:s23], [sflag:$0x5] =	stream.indirect_vreg.gather [hbm4b:s1+s3], $0x80, v3, vm0, $0x2000b8;
	[tilespmem:$0x10100] =	vst v63  }
0x4d: {  	v3 =	vld [tilespmem:s21+$0x40];
	_ =	sdelay $0x4  }
0x4e: {  	v60 =	vshll.u32 v3, $0x1  }
0x4f: {  	v3 =	vand.u32 $0x7, v3;
	v4 =	vand.u32 $0xFFFFFFF0, v60  }
0x50: {  	v3 =	vor.u32 v3, v4  }
0x51: {  	v4 =	vperm.xlane v3, v0;
	_ =	sdelay $0x1  }
0x52: {  	v3 =	vperm.xlane v3, v2;
	v4 =	vadd.s32 v1, v4;
	_ =	sdelay $0x1  }
0x53: {  	v3 =	vadd.s32 v1, v3;
	_ =	sdelay $0x1  }
0x54: {  	s24 =	sor.u32 $0x4100, s20  }
0x55: {  	[tilespmem:s24], [sflag:$0x5] =	stream.indirect_vreg.gather [hbm4b:s1+s3], $0x80, v4, vm0, $0x2000b8;
	[tilespmem:$0x10100] =	vst v63  }
0x56: {  	s25 =	sor.u32 $0x4900, s20  }
0x57: {  	[tilespmem:s25], [sflag:$0x5] =	stream.indirect_vreg.gather [hbm4b:s1+s3], $0x80, v3, vm0, $0x2000b8;
	[tilespmem:$0x10100] =	vst v63  }
0x58: {  	v3 =	vld [tilespmem:s21+$0x50];
	_ =	sdelay $0x4  }
0x59: {  	v61 =	vshll.u32 v3, $0x1  }
0x5a: {  	v3 =	vand.u32 $0x7, v3;
	v4 =	vand.u32 $0xFFFFFFF0, v61  }
0x5b: {  	v3 =	vor.u32 v3, v4  }
0x5c: {  	v4 =	vperm.xlane v3, v0;
	_ =	sdelay $0x1  }
0x5d: {  	v3 =	vperm.xlane v3, v2;
	v4 =	vadd.s32 v1, v4;
	_ =	sdelay $0x1  }
0x5e: {  	v3 =	vadd.s32 v1, v3;
	_ =	sdelay $0x1  }
0x5f: {  	s26 =	sor.u32 $0x5100, s20  }
0x60: {  	[tilespmem:s26], [sflag:$0x5] =	stream.indirect_vreg.gather [hbm4b:s1+s3], $0x80, v4, vm0, $0x2000b8;
	[tilespmem:$0x10100] =	vst v63  }
0x61: {  	s28 =	sor.u32 $0x5900, s20  }
0x62: {  	[tilespmem:s28], [sflag:$0x5] =	stream.indirect_vreg.gather [hbm4b:s1+s3], $0x80, v3, vm0, $0x2000b8;
	[tilespmem:$0x10100] =	vst v63  }
0x63: {  	v3 =	vld [tilespmem:s21+$0x60];
	_ =	sdelay $0x4  }
0x64: {  	v62 =	vshll.u32 v3, $0x1  }
0x65: {  	v3 =	vand.u32 $0x7, v3;
	v4 =	vand.u32 $0xFFFFFFF0, v62  }
0x66: {  	v3 =	vor.u32 v3, v4  }
0x67: {  	v4 =	vperm.xlane v3, v0;
	_ =	sdelay $0x1  }
0x68: {  	v3 =	vperm.xlane v3, v2;
	v4 =	vadd.s32 v1, v4;
	_ =	sdelay $0x1  }
0x69: {  	v3 =	vadd.s32 v1, v3;
	_ =	sdelay $0x1  }
0x6a: {  	s29 =	sor.u32 $0x6100, s20  }
0x6b: {  	[tilespmem:s29], [sflag:$0x5] =	stream.indirect_vreg.gather [hbm4b:s1+s3], $0x80, v4, vm0, $0x2000b8;
	[tilespmem:$0x10100] =	vst v63  }
0x6c: {  	s30 =	sor.u32 $0x6900, s20  }
0x6d: {  	[tilespmem:s30], [sflag:$0x5] =	stream.indirect_vreg.gather [hbm4b:s1+s3], $0x80, v3, vm0, $0x2000b8;
	[tilespmem:$0x10100] =	vst v63  }
0x6e: {  	v3 =	vld [tilespmem:s21+$0x70];
	_ =	sdelay $0x4  }
0x6f: {  	v63 =	vshll.u32 v3, $0x1  }
0x70: {  	v3 =	vand.u32 $0x7, v3;
	v4 =	vand.u32 $0xFFFFFFF0, v63  }
0x71: {  	v3 =	vor.u32 v3, v4  }
0x72: {  	v4 =	vperm.xlane v3, v0;
	_ =	sdelay $0x1  }
0x73: {  	v3 =	vperm.xlane v3, v2;
	v4 =	vadd.s32 v1, v4;
	_ =	sdelay $0x1  }
0x74: {  	v3 =	vadd.s32 v1, v3;
	_ =	sdelay $0x1  }
0x75: {  	s31 =	sor.u32 $0x7100, s20  }
0x76: {  	[tilespmem:s31], [sflag:$0x5] =	stream.indirect_vreg.gather [hbm4b:s1+s3], $0x80, v4, vm0, $0x2000b8;
	[tilespmem:$0x10100] =	vst v63  }
0x77: {  	s20 =	sor.u32 $0x7900, s20  }
0x78: {  	[tilespmem:s20], [sflag:$0x5] =	stream.indirect_vreg.gather [hbm4b:s1+s3], $0x80, v3, vm0, $0x2000b8;
	[tilespmem:$0x10100] =	vst v63  }
0x79: {  	_ =	swait.ge [sflag:s8], $0x8000  }
0x7a: {  	p2 =	seq.s32 s11, $0x1;
	[sflag:s8] =	ssyncset.done $0x0  }
0x7b: {  	s17 =	sadd.s32 s5, s17;
	p1 =	por p2, p1;
	[sflag:s8] =	ssyncadd.s32 $0xFFFF8000  }
0x7c: {  	s17 =	sshll.u32 @p1 s17, $0xC;
	_ =	strace $0x9000004B  }
0x7d: {  	s17 =	sand.u32 @p1 $0x1FFFF000, s17;
	s21 =	simm.s32 $0x1;
	_ =	strace @p1 $0x8000004C  }
0x7e: {  	s18 =	sadd.s32 @p1 $0x3, s18;
	s21 =	simm.s32 @!p0 $0x0;
	s20 =	rddreg [dreg:$0x3]  }
0x7f: {  	p0 =	seq.s32 s11, $0xB;
	s17 =	sadd.s32 @p1 s20, s17;
	s20 =	simm.s32 @p1 $0x0  }
0x80: {  	[hbm4b:s17+s20] =	stream.linear.scatter @p1 [tilespmem:s19], [sflag:s18], $0x8000, $0x200038;
	[tilespmem:$0x10100] =	vst v63  }
0x81: {  	s17 =	simm.s32 $0x1;
	s19 =	simm.s32 $0x1;
	_ =	strace @p1 $0x9000004C  }
0x82: {  	s17 =	simm.s32 @!p1 $0x0;
	p1 =	sne.s32 s11, $0xB;
	s11 =	sadd.s32 $0xFFFFFFFF, s11  }
0x83: {  	s18 =	sand.u32 @!p0 $0x1, s13;
	s19 =	simm.s32 @!p1 $0x0;
	p1 =	sne.s32 s11, $0x0  }
.Ltmp0:
0x84: {  	s18 =	sadd.s32 @!p0 $0x3, s18;
	_ =	strace @!p0 $0x8000004D;
	(pc) =	sbr.rel @p1 .LBB2_2-.Ltmp0, $4  }
0x85: {  	_ =	swait.ge @!p0 [sflag:s18], $0x8000  }
0x86: {  	[sflag:s18] =	ssyncset.done @!p0 $0x0  }
0x87: {  	s16 =	sadd.s32 s21, s16;
	s14 =	sadd.s32 s17, s14;
	[sflag:s18] =	ssyncadd.s32 @!p0 $0xFFFF8000  }
0x88: {  	s15 =	sadd.s32 s17, s15;
	s13 =	sadd.s32 s19, s13;
	_ =	strace @!p0 $0x9000004D  }
0x89: {  	s10 =	sadd.s32 $0x1, s10  }
0x8a: {  	p0 =	sne.s32 s10, s7  }
.Ltmp1:
0x8b: {  	_ =	strace $0x8000004E;
	(pc) =	sbr.rel @p0 .LBB2_1-.Ltmp1, $4  }
0x8c: {  	_ =	swait.ge [sflag:s9], $0x8000  }
0x8d: {  	[sflag:s9] =	ssyncset.done $0x0  }
0x8e: {  	[sflag:s9] =	ssyncadd.s32 $0xFFFF8000  }
0x8f: {  	_ =	strace $0x9000004E  }
0x90: {  	_ =	sfence.sel $0x180000  }
0x91: {  	[bflag:$0x0] =	sbarrier.arrive $0xFFFF  }
0x92: {  	p0 =	sne.s32 s2, $0x0;
	_ =	strace $0x90000047  }
0x93: {  	s0 =	sadd.s32 @!p0 $0x100000, s0;
	[bflag:$0x2] =	sbarrier.arrive $0xFFFF  }
0x94: {  	[sflag:s0] =	ssyncadd.tile.s32 @!p0 $0x1;
	_ =	shalt  }
.Lfunc_end2:
_tile_overlayer_lowered:
.L_overlay_start_2:
0x95: {  	(tag) =	ssettag $0x2  }
0x96: {  	s0 =	rddreg [dreg:$0x0];
	s2 =	stileid.u32  }
0x97: {  	s1 =	rddreg [dreg:$0x1];
	p0 =	sne.s32 s2, $0x0  }
0x98: {  	s3 =	rddreg [dreg:$0x2];
	[bflag:$0x3] =	sbarrier.arrive $0xFFFF;
	s2 =	simm.s32 @!p0 $0x1C01  }
0x99: {  	[timem:s3], [sflag:s2] =	dma.local @!p0 [hbm:s0], s1  }
0x9a: {  	s0 =	simm.s32 @!p0 $0x1  }
0x9b: {  	_ =	swait.ge @!p0 [sflag:s0], s1  }
0x9c: {  	s1 =	ssub.s32 @!p0 $0x0, s1;
	[sflag:s0] =	ssyncset.done @!p0 $0x0  }
0x9d: {  	[sflag:s0] =	ssyncadd.s32 @!p0 s1  }
0x9e: {  	[bflag:$0x3] =	sbarrier.arrive $0xFFFF  }
0x9f: {  	_ =	shalt  }

// kernel: kernel.14.cloned.1.call-start
scs
__scs_entry_jumppad:
0x0: {  	(pc) =	sbr.rel $0x88, $3  }
0x1: {  	(tag) =	ssettag $0x0;
	lr =	simm.s32 $0x1  }
0x2: {  	[smem:$0x3F9F] =	sst lr;
	_ =	strace $0xD0000000  }
0x3: {  	_ = 	snop  }
0x4: {  	_ = 	snop  }
0x5: {  	_ = 	snop  }
0x6: {  	_ = 	snop  }
0x7: {  	_ = 	snop  }
__scs_overlays_trampoline_lowered:
0x8: {  	[smem:$0x3FAE] =	sst s0  }
0x9: {  	[smem:$0x3FAF] =	sst s1  }
0xa: {  	[smem:$0x3FB0] =	sst s2  }
0xb: {  	[smem:$0x3FB1] =	sst s3  }
0xc: {  	[smem:$0x3FB2] =	sst s4  }
0xd: {  	[smem:$0x3FB3] =	sst s5  }
0xe: {  	[smem:$0x3FB4] =	sst s6  }
0xf: {  	[smem:$0x3FB5] =	sst s7  }
0x10: {  	[smem:$0x3FB6] =	sst s8  }
0x11: {  	[smem:$0x3FB7] =	sst s9;
	s0 =	simm.s32 @!p0 $0x0  }
0x12: {  	s1 =	sld [smem:$0x3F9D];
	s0 =	simm.s32 @p0 $0x1  }
0x13: {  	[smem:$0x3FB8] =	sst s0;
	s0 =	simm.s32 @!p1 $0x0  }
0x14: {  	s2 =	sld [smem:$0x3F9C];
	s0 =	simm.s32 @p1 $0x1  }
0x15: {  	[smem:$0x3FB9] =	sst s0;
	s0 =	simm.s32 @!p2 $0x0  }
0x16: {  	s3 =	sld [smem:$0x3FDB];
	s0 =	simm.s32 @p2 $0x1  }
0x17: {  	s4 =	simm.s32 $0x1BF5;
	[smem:$0x3FBB] =	sst s0  }
0x18: {  	s0 =	sld [smem:$0x3F9E];
	_ =	swait.ge [sflag:s4], $0x0  }
0x19: {  	s7 =	sld [smem:$0x3F9F]  }
0x1a: {  	s8 =	sadd.s32 $0xFFFFE003, lr  }
0x1b: {  	s9 =	sadd.s32 $0xFFFFFEF7, lr;
	s5 =	simm.s32 $0xFFFFFFFF;
	p2 =	slt.u32 s8, $0xFFFFF086  }
0x1c: {  	p1 =	slt.u32 s9, $0xF7A;
	s5 =	simm.s32 @!p2 $0x0  }
0x1d: {  	s5 =	simm.s32 @p1 $0x1;
	p0 =	seq.s32 s7, s2  }
0x1e: {  	s7 =	smul.u32 @!p0 $0xF7A, s2;
	p2 =	seq.s32 @!p0 s5, $0x0  }
0x1f: {  	s9 =	smul.u32 $0xF7A, s1;
	s8 =	simm.s32 @!p0 $0x1BF5;
	p2 =	por !p2, p0  }
0x20: {  	[sflag:s8] =	ssyncset.s32 @!p0 $0xFFFFF086;
	s6 =	sadd.s32 @!p0 s3, s7;
	s7 =	simm.s32 @!p0 $0x108  }
0x21: {  	s3 =	sadd.s32 s3, s9;
	s6 =	sadd.s32 @!p0 $0x88, s6;
	s7 =	simm.s32 @p2 $0x1082  }
0x22: {  	[simem:s7], [sflag:s8] =	dma.local @!p0 [hbm:s6], $0xF7A  }
0x23: {  	s9 =	sor.u32 $0xD0000000, s2;
	s6 =	simm.s32 $0x108;
	_ =	swait.ge @!p0 [sflag:s8], $0x0  }
0x24: {  	s3 =	sadd.s32 $0x88, s3;
	s6 =	simm.s32 @!p1 $0x1082;
	[sflag:s4] =	ssyncset.s32 $0xFFFFF086  }
0x25: {  	[simem:s6], [sflag:s4] =	dma.local [hbm:s3], $0xF7A  }
0x26: {  	[smem:$0x3F9F] =	sst s1;
	(tag) =	ssettag s2;
	_ =	strace s9  }
0x27: {  	s1 =	sld [smem:$0x3FAF]  }
0x28: {  	s2 =	sld [smem:$0x3FB0]  }
0x29: {  	s4 =	sld [smem:$0x3FB2]  }
0x2a: {  	p0 =	seq.s32 s5, $0x0;
	s5 =	sld [smem:$0x3FB3]  }
0x2b: {  	s6 =	sld [smem:$0x3FB4]  }
0x2c: {  	s7 =	sld [smem:$0x3FB5]  }
0x2d: {  	s3 =	simm.s32 $0x108;
	s8 =	sld [smem:$0x3FB6]  }
0x2e: {  	s3 =	simm.s32 @!p0 $0x1082;
	s9 =	sld [smem:$0x3FB7]  }
0x2f: {  	lr =	sadd.s32 s0, s3;
	s0 =	sld [smem:$0x3FAE]  }
0x30: {  	s3 =	sld [smem:$0x3FB1]  }
0x31: {  	[smem:$0x3FBA] =	sst s10  }
0x32: {  	s10 =	sld [smem:$0x3FB8];
	_ =	sdelay $0x3  }
0x33: {  	p0 =	seq.s32 s10, $0x1;
	s10 =	sld [smem:$0x3FBA];
	_ =	sdelay $0x3  }
0x34: {  	[smem:$0x3FBA] =	sst s10  }
0x35: {  	s10 =	sld [smem:$0x3FB9];
	_ =	sdelay $0x3  }
0x36: {  	p1 =	seq.s32 s10, $0x1;
	s10 =	sld [smem:$0x3FBA];
	_ =	sdelay $0x3  }
0x37: {  	[smem:$0x3FBA] =	sst s10  }
0x38: {  	s10 =	sld [smem:$0x3FBB]  }
0x39: {  	_ = 	snop;
	(pc) =	sbr.ind lr, $3  }
0x3a: {  	_ = 	snop  }
0x3b: {  	_ = 	snop  }
0x3c: {  	p2 =	seq.s32 s10, $0x1;
	s10 =	sld [smem:$0x3FBA]  }
0x3d: {  	_ =	shalt  }
0x3e: {  	_ =	shalt  }
0x3f: {  	_ =	shalt  }
0x40: {  	_ =	shalt  }
0x41: {  	_ =	shalt  }
0x42: {  	_ =	shalt  }
0x43: {  	_ =	shalt  }
0x44: {  	_ =	shalt  }
0x45: {  	_ =	shalt  }
0x46: {  	_ =	shalt  }
0x47: {  	_ =	shalt  }
0x48: {  	_ =	shalt  }
0x49: {  	_ =	shalt  }
0x4a: {  	_ =	shalt  }
0x4b: {  	_ =	shalt  }
0x4c: {  	_ =	shalt  }
0x4d: {  	_ =	shalt  }
0x4e: {  	_ =	shalt  }
0x4f: {  	_ =	shalt  }
0x50: {  	_ =	shalt  }
0x51: {  	_ =	shalt  }
0x52: {  	_ =	shalt  }
0x53: {  	_ =	shalt  }
0x54: {  	_ =	shalt  }
0x55: {  	_ =	shalt  }
0x56: {  	_ =	shalt  }
0x57: {  	_ =	shalt  }
0x58: {  	_ =	shalt  }
0x59: {  	_ =	shalt  }
0x5a: {  	_ =	shalt  }
0x5b: {  	_ =	shalt  }
0x5c: {  	_ =	shalt  }
0x5d: {  	_ =	shalt  }
0x5e: {  	_ =	shalt  }
0x5f: {  	_ =	shalt  }
0x60: {  	_ =	shalt  }
0x61: {  	_ =	shalt  }
0x62: {  	_ =	shalt  }
0x63: {  	_ =	shalt  }
0x64: {  	_ =	shalt  }
0x65: {  	_ =	shalt  }
0x66: {  	_ =	shalt  }
0x67: {  	_ =	shalt  }
0x68: {  	_ =	shalt  }
0x69: {  	_ =	shalt  }
0x6a: {  	_ =	shalt  }
0x6b: {  	_ =	shalt  }
0x6c: {  	_ =	shalt  }
0x6d: {  	_ =	shalt  }
0x6e: {  	_ =	shalt  }
0x6f: {  	_ =	shalt  }
0x70: {  	_ =	shalt  }
0x71: {  	_ =	shalt  }
0x72: {  	_ =	shalt  }
0x73: {  	_ =	shalt  }
0x74: {  	_ =	shalt  }
0x75: {  	_ =	shalt  }
0x76: {  	_ =	shalt  }
0x77: {  	_ =	shalt  }
0x78: {  	_ =	shalt  }
0x79: {  	_ =	shalt  }
0x7a: {  	_ =	shalt  }
0x7b: {  	_ =	shalt  }
0x7c: {  	_ =	shalt  }
0x7d: {  	_ =	shalt  }
0x7e: {  	_ =	shalt  }
0x7f: {  	_ =	shalt  }
0x80: {  	_ =	shalt  }
0x81: {  	_ =	shalt  }
0x82: {  	_ =	shalt  }
0x83: {  	_ =	shalt  }
0x84: {  	_ =	shalt  }
0x85: {  	_ =	shalt  }
0x86: {  	_ =	shalt  }
0x87: {  	_ =	shalt  }
.Lfunc_end0:
.L_simem_size_0:
called_computation.1_lowered:
.L_overlay_start_0:
0x88: {  	s2 =	sld [smem:$0x3FD9]  }
0x89: {  	s3 =	sld [smem:$0x3FFE];
	_ =	sdelay $0x1  }
0x8a: {  	s1 =	srdreg.scid  }
0x8b: {  	s0 =	sand.u32 $0x1, s1  }
0x8c: {  	s17 =	sshll.u32 s0, $0xA;
	s2 =	sadd.s32 s3, s2  }
0x8d: {  	s2 =	sadd.s32 s2, s17  }
0x8e: {  	[smem:$0x3FC6] =	sst s2  }
0x8f: {  	_ = 	snop  }
0x90: {  	(tm) =	ssettm $0x1  }
0x91: {  	s18 =	sld [smem:$0x3FFB];
	_ =	sdelay $0x3  }
0x92: {  	_ =	strace s18  }
0x93: {  	s2 =	sld [smem:$0x3FFC];
	_ =	sdelay $0x3  }
0x94: {  	_ =	strace s2  }
0x95: {  	s2 =	sld [smem:$0x3FFD];
	_ =	sdelay $0x3  }
0x96: {  	_ =	strace s2  }
0x97: {  	_ =	strace $0x8FFFFFFF  }
0x98: {  	s19 =	sld [smem:$0x3FDB];
	_ =	sdelay $0x1  }
0x99: {  	s20 =	simm.s32 $_scs_section_size  }
0x9a: {  	s4 =	simm.s32 $_size__tile_overlayer_lowered;
	s5 =	simm.s32 $_tile_overlayer_lowered  }
0x9b: {  	s6 =	simm.s32 $0x1BFF;
	s21 =	sshll.u32 s5, $0x1;
	s3 =	sadd.s32 s20, s19  }
0x9c: {  	s22 =	simm.s32 $0x0;
	s4 =	sshll.u32 s4, $0x1;
	s5 =	sadd.s32 s21, s3  }
0x9d: {  	[timem:s22], [sflag:s6] =	dma.local [hbm:s5], s4  }
0x9e: {  	_ =	swait.ge [sflag:s6], s4  }
0x9f: {  	s4 =	ssub.s32 $0x0, s4;
	[sflag:s6] =	ssyncset.done $0x0  }
0xa0: {  	[sflag:s6] =	ssyncadd.s32 s4;
	_ =	sdelay $0x1  }
0xa1: {  	s23 =	simm.s32 $0x1B8B  }
0xa2: {  	_ =	swait.ge [sflag:s23], $0x1  }
0xa3: {  	[sflag:s23] =	ssyncset.done $0x0  }
0xa4: {  	[sflag:s23] =	ssyncadd.s32 $0xFFFFFFFF  }
0xa5: {  	s4 =	sld [smem:$0x0]  }
0xa6: {  	s5 =	sand.u32 $0xFFFFFFFE, s1  }
0xa7: {  	p0 =	sne.s32 s1, s5  }
0xa8: {  	s5 =	sshll.u32 @p0 s5, $0xE  }
0xa9: {  	s5 =	sadd.s32 @p0 $0x11B8D, s5;
	s6 =	sshll.u32 @p0 s4, $0x11  }
0xaa: {  	s5 =	sor.u32 @p0 s6, s5  }
0xab: {  	[sflag:s5] =	ssyncadd.remote.s32 @p0 $0x1;
	_ =	sdelay $0x1  }
0xac: {  	s5 =	simm.s32 @p0 $0x1B8D  }
0xad: {  	_ =	swait.eq @p0 [sflag:s5], $0x1  }
0xae: {  	[sflag:s5] =	ssyncadd.s32 @p0 $0xFFFFFFFF  }
0xaf: {  	s6 =	sshll.u32 @!p0 s1, $0xE  }
0xb0: {  	s6 =	sor.u32 @!p0 $0x4000, s6;
	s5 =	simm.s32 @!p0 $0x1B8D  }
0xb1: {  	s4 =	sshll.u32 @!p0 s4, $0x11;
	s6 =	sadd.s32 @!p0 $0x11B8D, s6;
	_ =	swait.eq @!p0 [sflag:s5], $0x1  }
0xb2: {  	s4 =	sor.u32 @!p0 s4, s6;
	[sflag:s5] =	ssyncadd.s32 @!p0 $0xFFFFFFFF  }
0xb3: {  	s25 =	simm.s32 $0x1B8E;
	s24 =	sld [smem:$0x3FFE];
	[sflag:s4] =	ssyncadd.remote.s32 @!p0 $0x1  }
0xb4: {  	s26 =	simm.s32 $execute0_lowered;
	[smem:$0x3FD2] =	sst s25  }
0xb5: {  	s5 =	sshll.u32 s26, $0x1;
	_ =	strace $0x80000050;
	[dreg:$0x1] =	wrdreg $0xFFFFFFFF  }
0xb6: {  	s28 =	simm.s32 $_size_execute0_lowered;
	s3 =	sadd.s32 s3, s5;
	[dreg:$0x0] =	wrdreg $0x0  }
0xb7: {  	s5 =	sshll.u32 s28, $0x1;
	[dreg:$0x2] =	wrdreg s3  }
0xb8: {  	[dreg:$0x3] =	wrdreg s5  }
0xb9: {  	[dreg:$0x4] =	wrdreg $0xC0  }
0xba: {  	_ =	task [dreg:s22], $0x5FFFF  }
0xbb: {  	[dreg:$0x1] =	wrdreg $0xFFFFFFFF  }
0xbc: {  	[dreg:$0x0] =	wrdreg $0x60  }
0xbd: {  	[dreg:$0x2] =	wrdreg s24  }
0xbe: {  	[dreg:$0x3] =	wrdreg $0xA  }
0xbf: {  	_ =	task.clear_ibuf [dreg:s22], $0x4FFFF;
	_ =	strace $0x90000050  }
0xc0: {  	s29 =	simm.s32 $0xA;
	_ =	strace $0x80000059  }
0xc1: {  	_ =	swait.ge [sflag:s29], $0x1  }
0xc2: {  	[sflag:s29] =	ssyncadd.s32 $0xFFFFFFFF  }
0xc3: {  	_ =	strace $0x90000059  }
0xc4: {  	_ =	sfence  }
0xc5: {  	s30 =	sld [smem:$0x0];
	_ =	sdelay $0x2  }
0xc6: {  	s31 =	sshll.u32 s1, $0xD;
	s1 =	sshrl.u32 s1, $0x2  }
0xc7: {  	s4 =	sand.u32 $0x4000, s31;
	s1 =	sadd.s32 s1, s30  }
0xc8: {  	s0 =	sor.u32 s4, s0;
	s1 =	sshll.u32 s1, $0x11  }
0xc9: {  	s0 =	sor.u32 s1, s0  }
0xca: {  	s0 =	sadd.s32 $0x8F2B, s0  }
0xcb: {  	[sflag:s0] =	ssyncadd.remote.s32 $0x1  }
0xcc: {  	_ =	sfence.sel $0xFFFF  }
0xcd: {  	[dreg:$0x0] =	wrdreg $0xFFFFFFFF;
	(pc) =	sbr.abs _section_cstart, $3  }
0xce: {  	[dreg:$0x1] =	wrdreg $0xFFFFFFFF  }
0xcf: {  	_ =	task.clear_ibuf [dreg:s22], $0x2FFFF;
	_ =	strace $0x9FFFFFFF  }
0xd0: {  	(tm) =	ssettm $0x7FFFFFFF  }
0xd1: {  	_ =	shalt  }
tec
execute0_lowered:
.L_overlay_start_1:
0x0: {  	(tag) =	ssettag $0x1  }
0x1: {  	s4 =	rddreg [dreg:$0x0]  }
0x2: {  	s0 =	rddreg [dreg:$0x1];
	s1 =	simm.s32 $0x0  }
0x3: {  	s2 =	srdreg.scid;
	s10 =	simm.s32 $0x0;
	[smem:$0x7FF] =	sst s1  }
0x4: {  	s5 =	sand.u32 $0x1, s2;
	s2 =	stileid.u32;
	s3 =	sadd.s32 $0x162C00, s4  }
0x5: {  	s7 =	sadd.s32 $0x2C2C00, s4;
	s4 =	sadd.s32 $0x1600, s4;
	s6 =	sshll.u32 s5, $0x4  }
0x6: {  	_ =	strace $0x80000051;
	s5 =	ssub.s32 $0x2, s5;
	s6 =	sor.u32 s2, s6  }
0x7: {  	v2 =	vlaneseq.u32;
	[dreg:$0x2] =	wrdreg s7;
	s8 =	sshrl.u32 s5, $0x1;
	s9 =	smul.u32 $0xB0, s6  }
0x8: {  	vm0 =	vmmov $0xffff;
	v1 =	vshrl.u32 v2, $0x3;
	s31 =	ssub.s32 s5, s8;
	s5 =	smul.u32 $0xB, s6;
	s8 =	simm.s32 $0x5  }
0x9: {  	v0 =	vand.u32 $0x7, v2;
	v2 =	vor.u32 $0x8, v2;
	v1 =	vmul.u32 $0x8, v1;
	s7 =	smax.u32 s31, $0x1;
	s6 =	sadd.s32 s4, s9;
	s9 =	simm.s32 $0x3  }
.LBB2_1:
0xa: {  	_ =	strace $0x80000052;
	s11 =	simm.s32 $0xB  }
0xb: {  	s12 =	simm.s32 $0x0;
	s13 =	simm.s32 $0x0;
	s14 =	simm.s32 $0x0  }
0xc: {  	[tilespmem:s1], [sflag:$0x1] =	stream.linear.gather [hbm4b:s6+s1], $0x80, $0x200038;
	[tilespmem:$0x10100] =	vst v63  }
0xd: {  	s15 =	simm.s32 $0x0;
	s16 =	simm.s32 $0x1;
	_ =	strace $0x90000052  }
.LBB2_2:
0xe: {  	s17 =	smov.u32 s12;
	s12 =	sadd.s32 $0x1, s12  }
0xf: {  	p0 =	seq.s32 s12, $0xB  }
0x10: {  	s12 =	simm.s32 @p0 $0x0  }
0x11: {  	p6 =	sne.s32 s11, $0x1;
	p1 =	sne.s32 s17, s12  }
0x12: {  	p0 =	por !p6, !p1  }
0x13: {  	p0 =	por !p0, !p0  }
0x14: {  	s18 =	sadd.s32 @p0 s5, s12  }
0x15: {  	s19 =	sand.u32 @p0 $0x1, s16;
	s18 =	sshll.u32 @p0 s18, $0x4  }
0x16: {  	_ =	strace @p0 $0x80000053;
	s21 =	simm.s32 @p0 $0x0;
	s18 =	sand.u32 @p0 $0x1FFFFFF0, s18  }
0x17: {  	s20 =	sshll.u32 @p0 s19, $0x7;
	s19 =	sadd.s32 @p0 $0x1, s19;
	s18 =	sadd.s32 @p0 s4, s18  }
0x18: {  	[tilespmem:s20], [sflag:s19] =	stream.linear.gather @p0 [hbm4b:s18+s21], $0x80, $0x200038;
	[tilespmem:$0x10100] =	vst v63  }
0x19: {  	s24 =	sand.u32 $0x1, s15;
	_ =	strace @p0 $0x90000053  }
0x1a: {  	s18 =	sadd.s32 $0x1, s24;
	_ =	strace $0x80000054  }
0x1b: {  	_ =	swait.ge [sflag:s18], $0x80  }
0x1c: {  	[sflag:s18] =	ssyncset.done $0x0  }
0x1d: {  	[sflag:s18] =	ssyncadd.s32 $0xFFFFFF80  }
0x1e: {  	s25 =	sshll.u32 s15, $0x7;
	_ =	strace $0x90000054  }
0x1f: {  	s21 =	sand.u32 $0x80, s25;
	_ =	strace $0x80000055  }
0x20: {  	v3 =	vld [tilespmem:s21+$0x0];
	_ =	sdelay $0x4  }
0x21: {  	v4 =	vshll.u32 v3, $0x1  }
0x22: {  	v3 =	vand.u32 $0x7, v3;
	v4 =	vand.u32 $0xFFFFFFF0, v4  }
0x23: {  	v3 =	vor.u32 v3, v4  }
0x24: {  	v4 =	vperm.xlane v3, v0;
	_ =	sdelay $0x1  }
0x25: {  	v3 =	vperm.xlane v3, v2;
	v4 =	vadd.s32 v1, v4;
	_ =	sdelay $0x1  }
0x26: {  	s18 =	sand.u32 $0x1, s14;
	v3 =	vadd.s32 v1, v3  }
0x27: {  	s20 =	sshll.u32 s18, $0xF  }
0x28: {  	s19 =	sor.u32 $0x100, s20  }
0x29: {  	[tilespmem:s19], [sflag:$0x5] =	stream.indirect_vreg.gather [hbm4b:s3+s1], $0x80, v4, vm0, $0x2000b8;
	[tilespmem:$0x10100] =	vst v63  }
0x2a: {  	s22 =	sor.u32 $0x900, s20  }
0x2b: {  	[tilespmem:s22], [sflag:$0x5] =	stream.indirect_vreg.gather [hbm4b:s3+s1], $0x80, v3, vm0, $0x2000b8;
	[tilespmem:$0x10100] =	vst v63  }
0x2c: {  	v3 =	vld [tilespmem:s21+$0x10];
	_ =	sdelay $0x4  }
0x2d: {  	v57 =	vshll.u32 v3, $0x1  }
0x2e: {  	v3 =	vand.u32 $0x7, v3;
	v4 =	vand.u32 $0xFFFFFFF0, v57  }
0x2f: {  	v3 =	vor.u32 v3, v4  }
0x30: {  	v4 =	vperm.xlane v3, v0;
	_ =	sdelay $0x1  }
0x31: {  	v3 =	vperm.xlane v3, v2;
	v4 =	vadd.s32 v1, v4;
	_ =	sdelay $0x1  }
0x32: {  	v3 =	vadd.s32 v1, v3;
	_ =	sdelay $0x1  }
0x33: {  	s26 =	sor.u32 $0x1100, s20  }
0x34: {  	[tilespmem:s26], [sflag:$0x5] =	stream.indirect_vreg.gather [hbm4b:s3+s1], $0x80, v4, vm0, $0x2000b8;
	[tilespmem:$0x10100] =	vst v63  }
0x35: {  	s28 =	sor.u32 $0x1900, s20  }
0x36: {  	[tilespmem:s28], [sflag:$0x5] =	stream.indirect_vreg.gather [hbm4b:s3+s1], $0x80, v3, vm0, $0x2000b8;
	[tilespmem:$0x10100] =	vst v63  }
0x37: {  	v3 =	vld [tilespmem:s21+$0x20];
	_ =	sdelay $0x4  }
0x38: {  	v58 =	vshll.u32 v3, $0x1  }
0x39: {  	v3 =	vand.u32 $0x7, v3;
	v4 =	vand.u32 $0xFFFFFFF0, v58  }
0x3a: {  	v3 =	vor.u32 v3, v4  }
0x3b: {  	v4 =	vperm.xlane v3, v0;
	_ =	sdelay $0x1  }
0x3c: {  	v3 =	vperm.xlane v3, v2;
	v4 =	vadd.s32 v1, v4;
	_ =	sdelay $0x1  }
0x3d: {  	v3 =	vadd.s32 v1, v3;
	_ =	sdelay $0x1  }
0x3e: {  	s29 =	sor.u32 $0x2100, s20  }
0x3f: {  	[tilespmem:s29], [sflag:$0x5] =	stream.indirect_vreg.gather [hbm4b:s3+s1], $0x80, v4, vm0, $0x2000b8;
	[tilespmem:$0x10100] =	vst v63  }
0x40: {  	s30 =	sor.u32 $0x2900, s20  }
0x41: {  	[tilespmem:s30], [sflag:$0x5] =	stream.indirect_vreg.gather [hbm4b:s3+s1], $0x80, v3, vm0, $0x2000b8;
	[tilespmem:$0x10100] =	vst v63  }
0x42: {  	v3 =	vld [tilespmem:s21+$0x30];
	_ =	sdelay $0x4  }
0x43: {  	v59 =	vshll.u32 v3, $0x1  }
0x44: {  	v3 =	vand.u32 $0x7, v3;
	v4 =	vand.u32 $0xFFFFFFF0, v59  }
0x45: {  	v3 =	vor.u32 v3, v4  }
0x46: {  	v4 =	vperm.xlane v3, v0;
	_ =	sdelay $0x1  }
0x47: {  	v3 =	vperm.xlane v3, v2;
	v4 =	vadd.s32 v1, v4;
	_ =	sdelay $0x1  }
0x48: {  	v3 =	vadd.s32 v1, v3;
	_ =	sdelay $0x1  }
0x49: {  	s31 =	sor.u32 $0x3100, s20  }
0x4a: {  	[tilespmem:s31], [sflag:$0x5] =	stream.indirect_vreg.gather [hbm4b:s3+s1], $0x80, v4, vm0, $0x2000b8;
	[tilespmem:$0x10100] =	vst v63  }
0x4b: {  	s23 =	sor.u32 $0x3900, s20  }
0x4c: {  	[tilespmem:s23], [sflag:$0x5] =	stream.indirect_vreg.gather [hbm4b:s3+s1], $0x80, v3, vm0, $0x2000b8;
	[tilespmem:$0x10100] =	vst v63  }
0x4d: {  	v3 =	vld [tilespmem:s21+$0x40];
	_ =	sdelay $0x4  }
0x4e: {  	v60 =	vshll.u32 v3, $0x1  }
0x4f: {  	v3 =	vand.u32 $0x7, v3;
	v4 =	vand.u32 $0xFFFFFFF0, v60  }
0x50: {  	v3 =	vor.u32 v3, v4  }
0x51: {  	v4 =	vperm.xlane v3, v0;
	_ =	sdelay $0x1  }
0x52: {  	v3 =	vperm.xlane v3, v2;
	v4 =	vadd.s32 v1, v4;
	_ =	sdelay $0x1  }
0x53: {  	v3 =	vadd.s32 v1, v3;
	_ =	sdelay $0x1  }
0x54: {  	s24 =	sor.u32 $0x4100, s20  }
0x55: {  	[tilespmem:s24], [sflag:$0x5] =	stream.indirect_vreg.gather [hbm4b:s3+s1], $0x80, v4, vm0, $0x2000b8;
	[tilespmem:$0x10100] =	vst v63  }
0x56: {  	s25 =	sor.u32 $0x4900, s20  }
0x57: {  	[tilespmem:s25], [sflag:$0x5] =	stream.indirect_vreg.gather [hbm4b:s3+s1], $0x80, v3, vm0, $0x2000b8;
	[tilespmem:$0x10100] =	vst v63  }
0x58: {  	v3 =	vld [tilespmem:s21+$0x50];
	_ =	sdelay $0x4  }
0x59: {  	v61 =	vshll.u32 v3, $0x1  }
0x5a: {  	v3 =	vand.u32 $0x7, v3;
	v4 =	vand.u32 $0xFFFFFFF0, v61  }
0x5b: {  	v3 =	vor.u32 v3, v4  }
0x5c: {  	v4 =	vperm.xlane v3, v0;
	_ =	sdelay $0x1  }
0x5d: {  	v3 =	vperm.xlane v3, v2;
	v4 =	vadd.s32 v1, v4;
	_ =	sdelay $0x1  }
0x5e: {  	v3 =	vadd.s32 v1, v3;
	_ =	sdelay $0x1  }
0x5f: {  	s26 =	sor.u32 $0x5100, s20  }
0x60: {  	[tilespmem:s26], [sflag:$0x5] =	stream.indirect_vreg.gather [hbm4b:s3+s1], $0x80, v4, vm0, $0x2000b8;
	[tilespmem:$0x10100] =	vst v63  }
0x61: {  	s28 =	sor.u32 $0x5900, s20  }
0x62: {  	[tilespmem:s28], [sflag:$0x5] =	stream.indirect_vreg.gather [hbm4b:s3+s1], $0x80, v3, vm0, $0x2000b8;
	[tilespmem:$0x10100] =	vst v63  }
0x63: {  	v3 =	vld [tilespmem:s21+$0x60];
	_ =	sdelay $0x4  }
0x64: {  	v62 =	vshll.u32 v3, $0x1  }
0x65: {  	v3 =	vand.u32 $0x7, v3;
	v4 =	vand.u32 $0xFFFFFFF0, v62  }
0x66: {  	v3 =	vor.u32 v3, v4  }
0x67: {  	v4 =	vperm.xlane v3, v0;
	_ =	sdelay $0x1  }
0x68: {  	v3 =	vperm.xlane v3, v2;
	v4 =	vadd.s32 v1, v4;
	_ =	sdelay $0x1  }
0x69: {  	v3 =	vadd.s32 v1, v3;
	_ =	sdelay $0x1  }
0x6a: {  	s29 =	sor.u32 $0x6100, s20  }
0x6b: {  	[tilespmem:s29], [sflag:$0x5] =	stream.indirect_vreg.gather [hbm4b:s3+s1], $0x80, v4, vm0, $0x2000b8;
	[tilespmem:$0x10100] =	vst v63  }
0x6c: {  	s30 =	sor.u32 $0x6900, s20  }
0x6d: {  	[tilespmem:s30], [sflag:$0x5] =	stream.indirect_vreg.gather [hbm4b:s3+s1], $0x80, v3, vm0, $0x2000b8;
	[tilespmem:$0x10100] =	vst v63  }
0x6e: {  	v3 =	vld [tilespmem:s21+$0x70];
	_ =	sdelay $0x4  }
0x6f: {  	v63 =	vshll.u32 v3, $0x1  }
0x70: {  	v3 =	vand.u32 $0x7, v3;
	v4 =	vand.u32 $0xFFFFFFF0, v63  }
0x71: {  	v3 =	vor.u32 v3, v4  }
0x72: {  	v4 =	vperm.xlane v3, v0;
	_ =	sdelay $0x1  }
0x73: {  	v3 =	vperm.xlane v3, v2;
	v4 =	vadd.s32 v1, v4;
	_ =	sdelay $0x1  }
0x74: {  	v3 =	vadd.s32 v1, v3;
	_ =	sdelay $0x1  }
0x75: {  	s31 =	sor.u32 $0x7100, s20  }
0x76: {  	[tilespmem:s31], [sflag:$0x5] =	stream.indirect_vreg.gather [hbm4b:s3+s1], $0x80, v4, vm0, $0x2000b8;
	[tilespmem:$0x10100] =	vst v63  }
0x77: {  	s20 =	sor.u32 $0x7900, s20  }
0x78: {  	[tilespmem:s20], [sflag:$0x5] =	stream.indirect_vreg.gather [hbm4b:s3+s1], $0x80, v3, vm0, $0x2000b8;
	[tilespmem:$0x10100] =	vst v63  }
0x79: {  	_ =	swait.ge [sflag:s8], $0x8000  }
0x7a: {  	p2 =	seq.s32 s11, $0x1;
	[sflag:s8] =	ssyncset.done $0x0  }
0x7b: {  	s17 =	sadd.s32 s5, s17;
	p1 =	por p2, p1;
	[sflag:s8] =	ssyncadd.s32 $0xFFFF8000  }
0x7c: {  	s17 =	sshll.u32 @p1 s17, $0xC;
	_ =	strace $0x90000055  }
0x7d: {  	s17 =	sand.u32 @p1 $0x1FFFF000, s17;
	s21 =	simm.s32 $0x1;
	_ =	strace @p1 $0x80000056  }
0x7e: {  	s18 =	sadd.s32 @p1 $0x3, s18;
	s21 =	simm.s32 @!p0 $0x0;
	s20 =	rddreg [dreg:$0x2]  }
0x7f: {  	p0 =	seq.s32 s11, $0xB;
	s17 =	sadd.s32 @p1 s20, s17;
	s20 =	simm.s32 @p1 $0x0  }
0x80: {  	[hbm4b:s17+s20] =	stream.linear.scatter @p1 [tilespmem:s19], [sflag:s18], $0x8000, $0x200038;
	[tilespmem:$0x10100] =	vst v63  }
0x81: {  	s17 =	simm.s32 $0x1;
	s19 =	simm.s32 $0x1;
	_ =	strace @p1 $0x90000056  }
0x82: {  	s17 =	simm.s32 @!p1 $0x0;
	p1 =	sne.s32 s11, $0xB;
	s11 =	sadd.s32 $0xFFFFFFFF, s11  }
0x83: {  	s18 =	sand.u32 @!p0 $0x1, s13;
	s19 =	simm.s32 @!p1 $0x0;
	p1 =	sne.s32 s11, $0x0  }
.Ltmp0:
0x84: {  	s18 =	sadd.s32 @!p0 $0x3, s18;
	_ =	strace @!p0 $0x80000057;
	(pc) =	sbr.rel @p1 .LBB2_2-.Ltmp0, $4  }
0x85: {  	_ =	swait.ge @!p0 [sflag:s18], $0x8000  }
0x86: {  	[sflag:s18] =	ssyncset.done @!p0 $0x0  }
0x87: {  	s16 =	sadd.s32 s21, s16;
	s14 =	sadd.s32 s17, s14;
	[sflag:s18] =	ssyncadd.s32 @!p0 $0xFFFF8000  }
0x88: {  	s15 =	sadd.s32 s17, s15;
	s13 =	sadd.s32 s19, s13;
	_ =	strace @!p0 $0x90000057  }
0x89: {  	s10 =	sadd.s32 $0x1, s10  }
0x8a: {  	p0 =	sne.s32 s10, s7  }
.Ltmp1:
0x8b: {  	_ =	strace $0x80000058;
	(pc) =	sbr.rel @p0 .LBB2_1-.Ltmp1, $4  }
0x8c: {  	_ =	swait.ge [sflag:s9], $0x8000  }
0x8d: {  	[sflag:s9] =	ssyncset.done $0x0  }
0x8e: {  	[sflag:s9] =	ssyncadd.s32 $0xFFFF8000  }
0x8f: {  	_ =	strace $0x90000058  }
0x90: {  	_ =	sfence.sel $0x180000  }
0x91: {  	[bflag:$0x0] =	sbarrier.arrive $0xFFFF  }
0x92: {  	p0 =	sne.s32 s2, $0x0;
	_ =	strace $0x90000051  }
0x93: {  	s0 =	sadd.s32 @!p0 $0x100000, s0;
	[bflag:$0x2] =	sbarrier.arrive $0xFFFF  }
0x94: {  	[sflag:s0] =	ssyncadd.tile.s32 @!p0 $0x1;
	_ =	shalt  }
.Lfunc_end2:
_tile_overlayer_lowered:
.L_overlay_start_2:
0x95: {  	(tag) =	ssettag $0x2  }
0x96: {  	s0 =	rddreg [dreg:$0x0];
	s2 =	stileid.u32  }
0x97: {  	s1 =	rddreg [dreg:$0x1];
	p0 =	sne.s32 s2, $0x0  }
0x98: {  	s3 =	rddreg [dreg:$0x2];
	[bflag:$0x3] =	sbarrier.arrive $0xFFFF;
	s2 =	simm.s32 @!p0 $0x1C01  }
0x99: {  	[timem:s3], [sflag:s2] =	dma.local @!p0 [hbm:s0], s1  }
0x9a: {  	s0 =	simm.s32 @!p0 $0x1  }
0x9b: {  	_ =	swait.ge @!p0 [sflag:s0], s1  }
0x9c: {  	s1 =	ssub.s32 @!p0 $0x0, s1;
	[sflag:s0] =	ssyncset.done @!p0 $0x0  }
0x9d: {  	[sflag:s0] =	ssyncadd.s32 @!p0 s1  }
0x9e: {  	[bflag:$0x3] =	sbarrier.arrive $0xFFFF  }
0x9f: {  	_ =	shalt  }

// kernel: kernel.17.cloned.1.call-start
scs
__scs_entry_jumppad:
0x0: {  	(pc) =	sbr.rel $0x88, $3  }
0x1: {  	(tag) =	ssettag $0x0;
	lr =	simm.s32 $0x1  }
0x2: {  	[smem:$0x3F9F] =	sst lr;
	_ =	strace $0xD0000000  }
0x3: {  	_ = 	snop  }
0x4: {  	_ = 	snop  }
0x5: {  	_ = 	snop  }
0x6: {  	_ = 	snop  }
0x7: {  	_ = 	snop  }
__scs_overlays_trampoline_lowered:
0x8: {  	[smem:$0x3FAE] =	sst s0  }
0x9: {  	[smem:$0x3FAF] =	sst s1  }
0xa: {  	[smem:$0x3FB0] =	sst s2  }
0xb: {  	[smem:$0x3FB1] =	sst s3  }
0xc: {  	[smem:$0x3FB2] =	sst s4  }
0xd: {  	[smem:$0x3FB3] =	sst s5  }
0xe: {  	[smem:$0x3FB4] =	sst s6  }
0xf: {  	[smem:$0x3FB5] =	sst s7  }
0x10: {  	[smem:$0x3FB6] =	sst s8  }
0x11: {  	[smem:$0x3FB7] =	sst s9;
	s0 =	simm.s32 @!p0 $0x0  }
0x12: {  	s1 =	sld [smem:$0x3F9D];
	s0 =	simm.s32 @p0 $0x1  }
0x13: {  	[smem:$0x3FB8] =	sst s0;
	s0 =	simm.s32 @!p1 $0x0  }
0x14: {  	s2 =	sld [smem:$0x3F9C];
	s0 =	simm.s32 @p1 $0x1  }
0x15: {  	[smem:$0x3FB9] =	sst s0;
	s0 =	simm.s32 @!p2 $0x0  }
0x16: {  	s3 =	sld [smem:$0x3FDB];
	s0 =	simm.s32 @p2 $0x1  }
0x17: {  	s4 =	simm.s32 $0x1BF5;
	[smem:$0x3FBB] =	sst s0  }
0x18: {  	s0 =	sld [smem:$0x3F9E];
	_ =	swait.ge [sflag:s4], $0x0  }
0x19: {  	s7 =	sld [smem:$0x3F9F]  }
0x1a: {  	s8 =	sadd.s32 $0xFFFFE003, lr  }
0x1b: {  	s9 =	sadd.s32 $0xFFFFFEF7, lr;
	s5 =	simm.s32 $0xFFFFFFFF;
	p2 =	slt.u32 s8, $0xFFFFF086  }
0x1c: {  	p1 =	slt.u32 s9, $0xF7A;
	s5 =	simm.s32 @!p2 $0x0  }
0x1d: {  	s5 =	simm.s32 @p1 $0x1;
	p0 =	seq.s32 s7, s2  }
0x1e: {  	s7 =	smul.u32 @!p0 $0xF7A, s2;
	p2 =	seq.s32 @!p0 s5, $0x0  }
0x1f: {  	s9 =	smul.u32 $0xF7A, s1;
	s8 =	simm.s32 @!p0 $0x1BF5;
	p2 =	por !p2, p0  }
0x20: {  	[sflag:s8] =	ssyncset.s32 @!p0 $0xFFFFF086;
	s6 =	sadd.s32 @!p0 s3, s7;
	s7 =	simm.s32 @!p0 $0x108  }
0x21: {  	s3 =	sadd.s32 s3, s9;
	s6 =	sadd.s32 @!p0 $0x88, s6;
	s7 =	simm.s32 @p2 $0x1082  }
0x22: {  	[simem:s7], [sflag:s8] =	dma.local @!p0 [hbm:s6], $0xF7A  }
0x23: {  	s9 =	sor.u32 $0xD0000000, s2;
	s6 =	simm.s32 $0x108;
	_ =	swait.ge @!p0 [sflag:s8], $0x0  }
0x24: {  	s3 =	sadd.s32 $0x88, s3;
	s6 =	simm.s32 @!p1 $0x1082;
	[sflag:s4] =	ssyncset.s32 $0xFFFFF086  }
0x25: {  	[simem:s6], [sflag:s4] =	dma.local [hbm:s3], $0xF7A  }
0x26: {  	[smem:$0x3F9F] =	sst s1;
	(tag) =	ssettag s2;
	_ =	strace s9  }
0x27: {  	s1 =	sld [smem:$0x3FAF]  }
0x28: {  	s2 =	sld [smem:$0x3FB0]  }
0x29: {  	s4 =	sld [smem:$0x3FB2]  }
0x2a: {  	p0 =	seq.s32 s5, $0x0;
	s5 =	sld [smem:$0x3FB3]  }
0x2b: {  	s6 =	sld [smem:$0x3FB4]  }
0x2c: {  	s7 =	sld [smem:$0x3FB5]  }
0x2d: {  	s3 =	simm.s32 $0x108;
	s8 =	sld [smem:$0x3FB6]  }
0x2e: {  	s3 =	simm.s32 @!p0 $0x1082;
	s9 =	sld [smem:$0x3FB7]  }
0x2f: {  	lr =	sadd.s32 s0, s3;
	s0 =	sld [smem:$0x3FAE]  }
0x30: {  	s3 =	sld [smem:$0x3FB1]  }
0x31: {  	[smem:$0x3FBA] =	sst s10  }
0x32: {  	s10 =	sld [smem:$0x3FB8];
	_ =	sdelay $0x3  }
0x33: {  	p0 =	seq.s32 s10, $0x1;
	s10 =	sld [smem:$0x3FBA];
	_ =	sdelay $0x3  }
0x34: {  	[smem:$0x3FBA] =	sst s10  }
0x35: {  	s10 =	sld [smem:$0x3FB9];
	_ =	sdelay $0x3  }
0x36: {  	p1 =	seq.s32 s10, $0x1;
	s10 =	sld [smem:$0x3FBA];
	_ =	sdelay $0x3  }
0x37: {  	[smem:$0x3FBA] =	sst s10  }
0x38: {  	s10 =	sld [smem:$0x3FBB]  }
0x39: {  	_ = 	snop;
	(pc) =	sbr.ind lr, $3  }
0x3a: {  	_ = 	snop  }
0x3b: {  	_ = 	snop  }
0x3c: {  	p2 =	seq.s32 s10, $0x1;
	s10 =	sld [smem:$0x3FBA]  }
0x3d: {  	_ =	shalt  }
0x3e: {  	_ =	shalt  }
0x3f: {  	_ =	shalt  }
0x40: {  	_ =	shalt  }
0x41: {  	_ =	shalt  }
0x42: {  	_ =	shalt  }
0x43: {  	_ =	shalt  }
0x44: {  	_ =	shalt  }
0x45: {  	_ =	shalt  }
0x46: {  	_ =	shalt  }
0x47: {  	_ =	shalt  }
0x48: {  	_ =	shalt  }
0x49: {  	_ =	shalt  }
0x4a: {  	_ =	shalt  }
0x4b: {  	_ =	shalt  }
0x4c: {  	_ =	shalt  }
0x4d: {  	_ =	shalt  }
0x4e: {  	_ =	shalt  }
0x4f: {  	_ =	shalt  }
0x50: {  	_ =	shalt  }
0x51: {  	_ =	shalt  }
0x52: {  	_ =	shalt  }
0x53: {  	_ =	shalt  }
0x54: {  	_ =	shalt  }
0x55: {  	_ =	shalt  }
0x56: {  	_ =	shalt  }
0x57: {  	_ =	shalt  }
0x58: {  	_ =	shalt  }
0x59: {  	_ =	shalt  }
0x5a: {  	_ =	shalt  }
0x5b: {  	_ =	shalt  }
0x5c: {  	_ =	shalt  }
0x5d: {  	_ =	shalt  }
0x5e: {  	_ =	shalt  }
0x5f: {  	_ =	shalt  }
0x60: {  	_ =	shalt  }
0x61: {  	_ =	shalt  }
0x62: {  	_ =	shalt  }
0x63: {  	_ =	shalt  }
0x64: {  	_ =	shalt  }
0x65: {  	_ =	shalt  }
0x66: {  	_ =	shalt  }
0x67: {  	_ =	shalt  }
0x68: {  	_ =	shalt  }
0x69: {  	_ =	shalt  }
0x6a: {  	_ =	shalt  }
0x6b: {  	_ =	shalt  }
0x6c: {  	_ =	shalt  }
0x6d: {  	_ =	shalt  }
0x6e: {  	_ =	shalt  }
0x6f: {  	_ =	shalt  }
0x70: {  	_ =	shalt  }
0x71: {  	_ =	shalt  }
0x72: {  	_ =	shalt  }
0x73: {  	_ =	shalt  }
0x74: {  	_ =	shalt  }
0x75: {  	_ =	shalt  }
0x76: {  	_ =	shalt  }
0x77: {  	_ =	shalt  }
0x78: {  	_ =	shalt  }
0x79: {  	_ =	shalt  }
0x7a: {  	_ =	shalt  }
0x7b: {  	_ =	shalt  }
0x7c: {  	_ =	shalt  }
0x7d: {  	_ =	shalt  }
0x7e: {  	_ =	shalt  }
0x7f: {  	_ =	shalt  }
0x80: {  	_ =	shalt  }
0x81: {  	_ =	shalt  }
0x82: {  	_ =	shalt  }
0x83: {  	_ =	shalt  }
0x84: {  	_ =	shalt  }
0x85: {  	_ =	shalt  }
0x86: {  	_ =	shalt  }
0x87: {  	_ =	shalt  }
.Lfunc_end0:
.L_simem_size_0:
called_computation.2_lowered:
.L_overlay_start_0:
0x88: {  	s2 =	sld [smem:$0x3FD9]  }
0x89: {  	s3 =	sld [smem:$0x3FFE];
	_ =	sdelay $0x1  }
0x8a: {  	s1 =	srdreg.scid  }
0x8b: {  	s0 =	sand.u32 $0x1, s1  }
0x8c: {  	s17 =	sshll.u32 s0, $0xA;
	s2 =	sadd.s32 s3, s2  }
0x8d: {  	s2 =	sadd.s32 s2, s17  }
0x8e: {  	[smem:$0x3FC6] =	sst s2  }
0x8f: {  	_ = 	snop  }
0x90: {  	(tm) =	ssettm $0x1  }
0x91: {  	s18 =	sld [smem:$0x3FFB];
	_ =	sdelay $0x3  }
0x92: {  	_ =	strace s18  }
0x93: {  	s2 =	sld [smem:$0x3FFC];
	_ =	sdelay $0x3  }
0x94: {  	_ =	strace s2  }
0x95: {  	s2 =	sld [smem:$0x3FFD];
	_ =	sdelay $0x3  }
0x96: {  	_ =	strace s2  }
0x97: {  	_ =	strace $0x8FFFFFFF  }
0x98: {  	s19 =	sld [smem:$0x3FDB];
	_ =	sdelay $0x1  }
0x99: {  	s20 =	simm.s32 $_scs_section_size  }
0x9a: {  	s4 =	simm.s32 $_size__tile_overlayer_lowered;
	s5 =	simm.s32 $_tile_overlayer_lowered  }
0x9b: {  	s6 =	simm.s32 $0x1BFF;
	s21 =	sshll.u32 s5, $0x1;
	s3 =	sadd.s32 s20, s19  }
0x9c: {  	s22 =	simm.s32 $0x0;
	s4 =	sshll.u32 s4, $0x1;
	s5 =	sadd.s32 s21, s3  }
0x9d: {  	[timem:s22], [sflag:s6] =	dma.local [hbm:s5], s4  }
0x9e: {  	_ =	swait.ge [sflag:s6], s4  }
0x9f: {  	s4 =	ssub.s32 $0x0, s4;
	[sflag:s6] =	ssyncset.done $0x0  }
0xa0: {  	[sflag:s6] =	ssyncadd.s32 s4;
	_ =	sdelay $0x1  }
0xa1: {  	s23 =	simm.s32 $0x1B8B  }
0xa2: {  	_ =	swait.ge [sflag:s23], $0x1  }
0xa3: {  	[sflag:s23] =	ssyncset.done $0x0  }
0xa4: {  	[sflag:s23] =	ssyncadd.s32 $0xFFFFFFFF  }
0xa5: {  	s4 =	sld [smem:$0x0]  }
0xa6: {  	s5 =	sand.u32 $0xFFFFFFFE, s1  }
0xa7: {  	p0 =	sne.s32 s1, s5  }
0xa8: {  	s5 =	sshll.u32 @p0 s5, $0xE  }
0xa9: {  	s5 =	sadd.s32 @p0 $0x11B8D, s5;
	s6 =	sshll.u32 @p0 s4, $0x11  }
0xaa: {  	s5 =	sor.u32 @p0 s6, s5  }
0xab: {  	[sflag:s5] =	ssyncadd.remote.s32 @p0 $0x1;
	_ =	sdelay $0x1  }
0xac: {  	s5 =	simm.s32 @p0 $0x1B8D  }
0xad: {  	_ =	swait.eq @p0 [sflag:s5], $0x1  }
0xae: {  	[sflag:s5] =	ssyncadd.s32 @p0 $0xFFFFFFFF  }
0xaf: {  	s6 =	sshll.u32 @!p0 s1, $0xE  }
0xb0: {  	s6 =	sor.u32 @!p0 $0x4000, s6;
	s5 =	simm.s32 @!p0 $0x1B8D  }
0xb1: {  	s4 =	sshll.u32 @!p0 s4, $0x11;
	s6 =	sadd.s32 @!p0 $0x11B8D, s6;
	_ =	swait.eq @!p0 [sflag:s5], $0x1  }
0xb2: {  	s4 =	sor.u32 @!p0 s4, s6;
	[sflag:s5] =	ssyncadd.s32 @!p0 $0xFFFFFFFF  }
0xb3: {  	s25 =	simm.s32 $0x1B8E;
	s24 =	sld [smem:$0x3FFE];
	[sflag:s4] =	ssyncadd.remote.s32 @!p0 $0x1  }
0xb4: {  	s26 =	simm.s32 $execute0_lowered;
	[smem:$0x3FD2] =	sst s25  }
0xb5: {  	s5 =	sshll.u32 s26, $0x1;
	_ =	strace $0x8000005A;
	[dreg:$0x1] =	wrdreg $0xFFFFFFFF  }
0xb6: {  	s28 =	simm.s32 $_size_execute0_lowered;
	s3 =	sadd.s32 s3, s5;
	[dreg:$0x0] =	wrdreg $0x0  }
0xb7: {  	s5 =	sshll.u32 s28, $0x1;
	[dreg:$0x2] =	wrdreg s3  }
0xb8: {  	[dreg:$0x3] =	wrdreg s5  }
0xb9: {  	[dreg:$0x4] =	wrdreg $0xC0  }
0xba: {  	_ =	task [dreg:s22], $0x5FFFF  }
0xbb: {  	[dreg:$0x1] =	wrdreg $0xFFFFFFFF  }
0xbc: {  	[dreg:$0x0] =	wrdreg $0x60  }
0xbd: {  	[dreg:$0x2] =	wrdreg s24  }
0xbe: {  	[dreg:$0x3] =	wrdreg $0xB  }
0xbf: {  	_ =	task.clear_ibuf [dreg:s22], $0x4FFFF;
	_ =	strace $0x9000005A  }
0xc0: {  	s29 =	simm.s32 $0xB;
	_ =	strace $0x80000063  }
0xc1: {  	_ =	swait.ge [sflag:s29], $0x1  }
0xc2: {  	[sflag:s29] =	ssyncadd.s32 $0xFFFFFFFF  }
0xc3: {  	_ =	strace $0x90000063  }
0xc4: {  	_ =	sfence  }
0xc5: {  	s30 =	sld [smem:$0x0];
	_ =	sdelay $0x2  }
0xc6: {  	s31 =	sshll.u32 s1, $0xD;
	s1 =	sshrl.u32 s1, $0x2  }
0xc7: {  	s4 =	sand.u32 $0x4000, s31;
	s1 =	sadd.s32 s1, s30  }
0xc8: {  	s0 =	sor.u32 s4, s0;
	s1 =	sshll.u32 s1, $0x11  }
0xc9: {  	s0 =	sor.u32 s1, s0  }
0xca: {  	s0 =	sadd.s32 $0x8F2B, s0  }
0xcb: {  	[sflag:s0] =	ssyncadd.remote.s32 $0x1  }
0xcc: {  	_ =	sfence.sel $0xFFFF  }
0xcd: {  	[dreg:$0x0] =	wrdreg $0xFFFFFFFF;
	(pc) =	sbr.abs _section_cstart, $3  }
0xce: {  	[dreg:$0x1] =	wrdreg $0xFFFFFFFF  }
0xcf: {  	_ =	task.clear_ibuf [dreg:s22], $0x2FFFF;
	_ =	strace $0x9FFFFFFF  }
0xd0: {  	(tm) =	ssettm $0x7FFFFFFF  }
0xd1: {  	_ =	shalt  }
tec
execute0_lowered:
.L_overlay_start_1:
0x0: {  	(tag) =	ssettag $0x1  }
0x1: {  	s4 =	rddreg [dreg:$0x0]  }
0x2: {  	s0 =	rddreg [dreg:$0x1];
	s1 =	simm.s32 $0x0  }
0x3: {  	s2 =	srdreg.scid;
	s10 =	simm.s32 $0x0;
	[smem:$0x7FF] =	sst s1  }
0x4: {  	s5 =	sand.u32 $0x1, s2;
	s2 =	stileid.u32;
	s3 =	sadd.s32 $0x422C00, s4  }
0x5: {  	s7 =	sadd.s32 $0x564000, s4;
	s4 =	sadd.s32 $0x562C00, s4;
	s6 =	sshll.u32 s5, $0x4  }
0x6: {  	_ =	strace $0x8000005B;
	s5 =	ssub.s32 $0x2, s5;
	s6 =	sor.u32 s2, s6  }
0x7: {  	v2 =	vlaneseq.u32;
	[dreg:$0x2] =	wrdreg s7;
	s8 =	sshrl.u32 s5, $0x1;
	s9 =	smul.u32 $0xA0, s6  }
0x8: {  	vm0 =	vmmov $0xffff;
	v1 =	vshrl.u32 v2, $0x3;
	s31 =	ssub.s32 s5, s8;
	s5 =	smul.u32 $0xA, s6;
	s8 =	simm.s32 $0x5  }
0x9: {  	v0 =	vand.u32 $0x7, v2;
	v2 =	vor.u32 $0x8, v2;
	v1 =	vmul.u32 $0x8, v1;
	s7 =	smax.u32 s31, $0x1;
	s6 =	sadd.s32 s4, s9;
	s9 =	simm.s32 $0x4  }
.LBB2_1:
0xa: {  	_ =	strace $0x8000005C;
	s11 =	simm.s32 $0xA  }
0xb: {  	s12 =	simm.s32 $0x0;
	s13 =	simm.s32 $0x0;
	s14 =	simm.s32 $0x0  }
0xc: {  	[tilespmem:s1], [sflag:$0x1] =	stream.linear.gather [hbm4b:s6+s1], $0x80, $0x200038;
	[tilespmem:$0x10100] =	vst v63  }
0xd: {  	s15 =	simm.s32 $0x0;
	s16 =	simm.s32 $0x1;
	_ =	strace $0x9000005C  }
.LBB2_2:
0xe: {  	s17 =	smov.u32 s12;
	s12 =	sadd.s32 $0x1, s12  }
0xf: {  	p0 =	seq.s32 s12, $0xA  }
0x10: {  	s12 =	simm.s32 @p0 $0x0  }
0x11: {  	p6 =	sne.s32 s11, $0x1;
	p1 =	sne.s32 s17, s12  }
0x12: {  	p0 =	por !p6, !p1  }
0x13: {  	p0 =	por !p0, !p0  }
0x14: {  	s18 =	sadd.s32 @p0 s5, s12  }
0x15: {  	s19 =	sand.u32 @p0 $0x1, s16;
	s18 =	sshll.u32 @p0 s18, $0x4  }
0x16: {  	_ =	strace @p0 $0x8000005D;
	s21 =	simm.s32 @p0 $0x0;
	s18 =	sand.u32 @p0 $0x1FFFFFF0, s18  }
0x17: {  	s20 =	sshll.u32 @p0 s19, $0x7;
	s19 =	sadd.s32 @p0 $0x1, s19;
	s18 =	sadd.s32 @p0 s4, s18  }
0x18: {  	[tilespmem:s20], [sflag:s19] =	stream.linear.gather @p0 [hbm4b:s18+s21], $0x80, $0x200038;
	[tilespmem:$0x10100] =	vst v63  }
0x19: {  	s24 =	sand.u32 $0x1, s15;
	_ =	strace @p0 $0x9000005D  }
0x1a: {  	s18 =	sadd.s32 $0x1, s24;
	_ =	strace $0x8000005E  }
0x1b: {  	_ =	swait.ge [sflag:s18], $0x80  }
0x1c: {  	[sflag:s18] =	ssyncset.done $0x0  }
0x1d: {  	[sflag:s18] =	ssyncadd.s32 $0xFFFFFF80  }
0x1e: {  	s25 =	sshll.u32 s15, $0x7;
	_ =	strace $0x9000005E  }
0x1f: {  	s21 =	sand.u32 $0x80, s25;
	_ =	strace $0x8000005F  }
0x20: {  	v3 =	vld [tilespmem:s21+$0x0];
	_ =	sdelay $0x4  }
0x21: {  	v4 =	vshll.u32 v3, $0x1  }
0x22: {  	v3 =	vand.u32 $0x7, v3;
	v4 =	vand.u32 $0xFFFFFFF0, v4  }
0x23: {  	v3 =	vor.u32 v3, v4  }
0x24: {  	v4 =	vperm.xlane v3, v0;
	_ =	sdelay $0x1  }
0x25: {  	v3 =	vperm.xlane v3, v2;
	v4 =	vadd.s32 v1, v4;
	_ =	sdelay $0x1  }
0x26: {  	s18 =	sand.u32 $0x1, s14;
	v3 =	vadd.s32 v1, v3  }
0x27: {  	s20 =	sshll.u32 s18, $0xF  }
0x28: {  	s19 =	sor.u32 $0x100, s20  }
0x29: {  	[tilespmem:s19], [sflag:$0x5] =	stream.indirect_vreg.gather [hbm4b:s3+s1], $0x80, v4, vm0, $0x2000b8;
	[tilespmem:$0x10100] =	vst v63  }
0x2a: {  	s22 =	sor.u32 $0x900, s20  }
0x2b: {  	[tilespmem:s22], [sflag:$0x5] =	stream.indirect_vreg.gather [hbm4b:s3+s1], $0x80, v3, vm0, $0x2000b8;
	[tilespmem:$0x10100] =	vst v63  }
0x2c: {  	v3 =	vld [tilespmem:s21+$0x10];
	_ =	sdelay $0x4  }
0x2d: {  	v57 =	vshll.u32 v3, $0x1  }
0x2e: {  	v3 =	vand.u32 $0x7, v3;
	v4 =	vand.u32 $0xFFFFFFF0, v57  }
0x2f: {  	v3 =	vor.u32 v3, v4  }
0x30: {  	v4 =	vperm.xlane v3, v0;
	_ =	sdelay $0x1  }
0x31: {  	v3 =	vperm.xlane v3, v2;
	v4 =	vadd.s32 v1, v4;
	_ =	sdelay $0x1  }
0x32: {  	v3 =	vadd.s32 v1, v3;
	_ =	sdelay $0x1  }
0x33: {  	s26 =	sor.u32 $0x1100, s20  }
0x34: {  	[tilespmem:s26], [sflag:$0x5] =	stream.indirect_vreg.gather [hbm4b:s3+s1], $0x80, v4, vm0, $0x2000b8;
	[tilespmem:$0x10100] =	vst v63  }
0x35: {  	s28 =	sor.u32 $0x1900, s20  }
0x36: {  	[tilespmem:s28], [sflag:$0x5] =	stream.indirect_vreg.gather [hbm4b:s3+s1], $0x80, v3, vm0, $0x2000b8;
	[tilespmem:$0x10100] =	vst v63  }
0x37: {  	v3 =	vld [tilespmem:s21+$0x20];
	_ =	sdelay $0x4  }
0x38: {  	v58 =	vshll.u32 v3, $0x1  }
0x39: {  	v3 =	vand.u32 $0x7, v3;
	v4 =	vand.u32 $0xFFFFFFF0, v58  }
0x3a: {  	v3 =	vor.u32 v3, v4  }
0x3b: {  	v4 =	vperm.xlane v3, v0;
	_ =	sdelay $0x1  }
0x3c: {  	v3 =	vperm.xlane v3, v2;
	v4 =	vadd.s32 v1, v4;
	_ =	sdelay $0x1  }
0x3d: {  	v3 =	vadd.s32 v1, v3;
	_ =	sdelay $0x1  }
0x3e: {  	s29 =	sor.u32 $0x2100, s20  }
0x3f: {  	[tilespmem:s29], [sflag:$0x5] =	stream.indirect_vreg.gather [hbm4b:s3+s1], $0x80, v4, vm0, $0x2000b8;
	[tilespmem:$0x10100] =	vst v63  }
0x40: {  	s30 =	sor.u32 $0x2900, s20  }
0x41: {  	[tilespmem:s30], [sflag:$0x5] =	stream.indirect_vreg.gather [hbm4b:s3+s1], $0x80, v3, vm0, $0x2000b8;
	[tilespmem:$0x10100] =	vst v63  }
0x42: {  	v3 =	vld [tilespmem:s21+$0x30];
	_ =	sdelay $0x4  }
0x43: {  	v59 =	vshll.u32 v3, $0x1  }
0x44: {  	v3 =	vand.u32 $0x7, v3;
	v4 =	vand.u32 $0xFFFFFFF0, v59  }
0x45: {  	v3 =	vor.u32 v3, v4  }
0x46: {  	v4 =	vperm.xlane v3, v0;
	_ =	sdelay $0x1  }
0x47: {  	v3 =	vperm.xlane v3, v2;
	v4 =	vadd.s32 v1, v4;
	_ =	sdelay $0x1  }
0x48: {  	v3 =	vadd.s32 v1, v3;
	_ =	sdelay $0x1  }
0x49: {  	s31 =	sor.u32 $0x3100, s20  }
0x4a: {  	[tilespmem:s31], [sflag:$0x5] =	stream.indirect_vreg.gather [hbm4b:s3+s1], $0x80, v4, vm0, $0x2000b8;
	[tilespmem:$0x10100] =	vst v63  }
0x4b: {  	s23 =	sor.u32 $0x3900, s20  }
0x4c: {  	[tilespmem:s23], [sflag:$0x5] =	stream.indirect_vreg.gather [hbm4b:s3+s1], $0x80, v3, vm0, $0x2000b8;
	[tilespmem:$0x10100] =	vst v63  }
0x4d: {  	v3 =	vld [tilespmem:s21+$0x40];
	_ =	sdelay $0x4  }
0x4e: {  	v60 =	vshll.u32 v3, $0x1  }
0x4f: {  	v3 =	vand.u32 $0x7, v3;
	v4 =	vand.u32 $0xFFFFFFF0, v60  }
0x50: {  	v3 =	vor.u32 v3, v4  }
0x51: {  	v4 =	vperm.xlane v3, v0;
	_ =	sdelay $0x1  }
0x52: {  	v3 =	vperm.xlane v3, v2;
	v4 =	vadd.s32 v1, v4;
	_ =	sdelay $0x1  }
0x53: {  	v3 =	vadd.s32 v1, v3;
	_ =	sdelay $0x1  }
0x54: {  	s24 =	sor.u32 $0x4100, s20  }
0x55: {  	[tilespmem:s24], [sflag:$0x5] =	stream.indirect_vreg.gather [hbm4b:s3+s1], $0x80, v4, vm0, $0x2000b8;
	[tilespmem:$0x10100] =	vst v63  }
0x56: {  	s25 =	sor.u32 $0x4900, s20  }
0x57: {  	[tilespmem:s25], [sflag:$0x5] =	stream.indirect_vreg.gather [hbm4b:s3+s1], $0x80, v3, vm0, $0x2000b8;
	[tilespmem:$0x10100] =	vst v63  }
0x58: {  	v3 =	vld [tilespmem:s21+$0x50];
	_ =	sdelay $0x4  }
0x59: {  	v61 =	vshll.u32 v3, $0x1  }
0x5a: {  	v3 =	vand.u32 $0x7, v3;
	v4 =	vand.u32 $0xFFFFFFF0, v61  }
0x5b: {  	v3 =	vor.u32 v3, v4  }
0x5c: {  	v4 =	vperm.xlane v3, v0;
	_ =	sdelay $0x1  }
0x5d: {  	v3 =	vperm.xlane v3, v2;
	v4 =	vadd.s32 v1, v4;
	_ =	sdelay $0x1  }
0x5e: {  	v3 =	vadd.s32 v1, v3;
	_ =	sdelay $0x1  }
0x5f: {  	s26 =	sor.u32 $0x5100, s20  }
0x60: {  	[tilespmem:s26], [sflag:$0x5] =	stream.indirect_vreg.gather [hbm4b:s3+s1], $0x80, v4, vm0, $0x2000b8;
	[tilespmem:$0x10100] =	vst v63  }
0x61: {  	s28 =	sor.u32 $0x5900, s20  }
0x62: {  	[tilespmem:s28], [sflag:$0x5] =	stream.indirect_vreg.gather [hbm4b:s3+s1], $0x80, v3, vm0, $0x2000b8;
	[tilespmem:$0x10100] =	vst v63  }
0x63: {  	v3 =	vld [tilespmem:s21+$0x60];
	_ =	sdelay $0x4  }
0x64: {  	v62 =	vshll.u32 v3, $0x1  }
0x65: {  	v3 =	vand.u32 $0x7, v3;
	v4 =	vand.u32 $0xFFFFFFF0, v62  }
0x66: {  	v3 =	vor.u32 v3, v4  }
0x67: {  	v4 =	vperm.xlane v3, v0;
	_ =	sdelay $0x1  }
0x68: {  	v3 =	vperm.xlane v3, v2;
	v4 =	vadd.s32 v1, v4;
	_ =	sdelay $0x1  }
0x69: {  	v3 =	vadd.s32 v1, v3;
	_ =	sdelay $0x1  }
0x6a: {  	s29 =	sor.u32 $0x6100, s20  }
0x6b: {  	[tilespmem:s29], [sflag:$0x5] =	stream.indirect_vreg.gather [hbm4b:s3+s1], $0x80, v4, vm0, $0x2000b8;
	[tilespmem:$0x10100] =	vst v63  }
0x6c: {  	s30 =	sor.u32 $0x6900, s20  }
0x6d: {  	[tilespmem:s30], [sflag:$0x5] =	stream.indirect_vreg.gather [hbm4b:s3+s1], $0x80, v3, vm0, $0x2000b8;
	[tilespmem:$0x10100] =	vst v63  }
0x6e: {  	v3 =	vld [tilespmem:s21+$0x70];
	_ =	sdelay $0x4  }
0x6f: {  	v63 =	vshll.u32 v3, $0x1  }
0x70: {  	v3 =	vand.u32 $0x7, v3;
	v4 =	vand.u32 $0xFFFFFFF0, v63  }
0x71: {  	v3 =	vor.u32 v3, v4  }
0x72: {  	v4 =	vperm.xlane v3, v0;
	_ =	sdelay $0x1  }
0x73: {  	v3 =	vperm.xlane v3, v2;
	v4 =	vadd.s32 v1, v4;
	_ =	sdelay $0x1  }
0x74: {  	v3 =	vadd.s32 v1, v3;
	_ =	sdelay $0x1  }
0x75: {  	s31 =	sor.u32 $0x7100, s20  }
0x76: {  	[tilespmem:s31], [sflag:$0x5] =	stream.indirect_vreg.gather [hbm4b:s3+s1], $0x80, v4, vm0, $0x2000b8;
	[tilespmem:$0x10100] =	vst v63  }
0x77: {  	s20 =	sor.u32 $0x7900, s20  }
0x78: {  	[tilespmem:s20], [sflag:$0x5] =	stream.indirect_vreg.gather [hbm4b:s3+s1], $0x80, v3, vm0, $0x2000b8;
	[tilespmem:$0x10100] =	vst v63  }
0x79: {  	_ =	swait.ge [sflag:s8], $0x8000  }
0x7a: {  	p2 =	seq.s32 s11, $0x1;
	[sflag:s8] =	ssyncset.done $0x0  }
0x7b: {  	s17 =	sadd.s32 s5, s17;
	p1 =	por p2, p1;
	[sflag:s8] =	ssyncadd.s32 $0xFFFF8000  }
0x7c: {  	s17 =	sshll.u32 @p1 s17, $0xC;
	_ =	strace $0x9000005F  }
0x7d: {  	s17 =	sand.u32 @p1 $0x1FFFF000, s17;
	s21 =	simm.s32 $0x1;
	_ =	strace @p1 $0x80000060  }
0x7e: {  	s18 =	sadd.s32 @p1 $0x3, s18;
	s21 =	simm.s32 @!p0 $0x0;
	s20 =	rddreg [dreg:$0x2]  }
0x7f: {  	p0 =	seq.s32 s11, $0xA;
	s17 =	sadd.s32 @p1 s20, s17;
	s20 =	simm.s32 @p1 $0x0  }
0x80: {  	[hbm4b:s17+s20] =	stream.linear.scatter @p1 [tilespmem:s19], [sflag:s18], $0x8000, $0x200038;
	[tilespmem:$0x10100] =	vst v63  }
0x81: {  	s17 =	simm.s32 $0x1;
	s19 =	simm.s32 $0x1;
	_ =	strace @p1 $0x90000060  }
0x82: {  	s17 =	simm.s32 @!p1 $0x0;
	p1 =	sne.s32 s11, $0xA;
	s11 =	sadd.s32 $0xFFFFFFFF, s11  }
0x83: {  	s18 =	sand.u32 @!p0 $0x1, s13;
	s19 =	simm.s32 @!p1 $0x0;
	p1 =	sne.s32 s11, $0x0  }
.Ltmp0:
0x84: {  	s18 =	sadd.s32 @!p0 $0x3, s18;
	_ =	strace @!p0 $0x80000061;
	(pc) =	sbr.rel @p1 .LBB2_2-.Ltmp0, $4  }
0x85: {  	_ =	swait.ge @!p0 [sflag:s18], $0x8000  }
0x86: {  	[sflag:s18] =	ssyncset.done @!p0 $0x0  }
0x87: {  	s16 =	sadd.s32 s21, s16;
	s14 =	sadd.s32 s17, s14;
	[sflag:s18] =	ssyncadd.s32 @!p0 $0xFFFF8000  }
0x88: {  	s15 =	sadd.s32 s17, s15;
	s13 =	sadd.s32 s19, s13;
	_ =	strace @!p0 $0x90000061  }
0x89: {  	s10 =	sadd.s32 $0x1, s10  }
0x8a: {  	p0 =	sne.s32 s10, s7  }
.Ltmp1:
0x8b: {  	_ =	strace $0x80000062;
	(pc) =	sbr.rel @p0 .LBB2_1-.Ltmp1, $4  }
0x8c: {  	_ =	swait.ge [sflag:s9], $0x8000  }
0x8d: {  	[sflag:s9] =	ssyncset.done $0x0  }
0x8e: {  	[sflag:s9] =	ssyncadd.s32 $0xFFFF8000  }
0x8f: {  	_ =	strace $0x90000062  }
0x90: {  	_ =	sfence.sel $0x180000  }
0x91: {  	[bflag:$0x0] =	sbarrier.arrive $0xFFFF  }
0x92: {  	p0 =	sne.s32 s2, $0x0;
	_ =	strace $0x9000005B  }
0x93: {  	s0 =	sadd.s32 @!p0 $0x100000, s0;
	[bflag:$0x2] =	sbarrier.arrive $0xFFFF  }
0x94: {  	[sflag:s0] =	ssyncadd.tile.s32 @!p0 $0x1;
	_ =	shalt  }
.Lfunc_end2:
_tile_overlayer_lowered:
.L_overlay_start_2:
0x95: {  	(tag) =	ssettag $0x2  }
0x96: {  	s0 =	rddreg [dreg:$0x0];
	s2 =	stileid.u32  }
0x97: {  	s1 =	rddreg [dreg:$0x1];
	p0 =	sne.s32 s2, $0x0  }
0x98: {  	s3 =	rddreg [dreg:$0x2];
	[bflag:$0x3] =	sbarrier.arrive $0xFFFF;
	s2 =	simm.s32 @!p0 $0x1C01  }
0x99: {  	[timem:s3], [sflag:s2] =	dma.local @!p0 [hbm:s0], s1  }
0x9a: {  	s0 =	simm.s32 @!p0 $0x1  }
0x9b: {  	_ =	swait.ge @!p0 [sflag:s0], s1  }
0x9c: {  	s1 =	ssub.s32 @!p0 $0x0, s1;
	[sflag:s0] =	ssyncset.done @!p0 $0x0  }
0x9d: {  	[sflag:s0] =	ssyncadd.s32 @!p0 s1  }
0x9e: {  	[bflag:$0x3] =	sbarrier.arrive $0xFFFF  }
0x9f: {  	_ =	shalt  }

</sc_bundles>
